<compile_context>
chip_gen: v7x
topology: tpu7x:2x2x1
jax: 0.10.2.dev20260603
libtpu: 0.0.44.dev20260713+nightly
codegen_flags: <defaults>
</compile_context>

<pallas_src>
import functools

import jax
import jax.numpy as jnp
from jax import lax
from jax.experimental import pallas as pl
from jax.experimental.pallas import tpu as pltpu

def _gelu_exact(x):
    return 0.5 * x * (1.0 + lax.erf(x * jnp.float32(0.7071067811865476)))


B, N, D = 2, 4096, 1024
F = 8192
THRESH = 0.3
BM_PTR = 1024
BM_C = 512


def _ptr_body(h_ref, W1_ref, b1_ref, w2_ref, b2_ref, p0_ref, p1_ref, p2_ref, tab_ref):
    blocks_per_batch = N // BM_PTR
    row_off = (pl.program_id(0) // blocks_per_batch) * N
    h = h_ref[...]
    W1 = W1_ref[...].astype(jnp.bfloat16)
    b1 = b1_ref[...]
    w2 = w2_ref[...].astype(jnp.bfloat16)
    b2 = b2_ref[0, 0]
    outs = (p0_ref, p1_ref, p2_ref)
    u = lax.bitcast_convert_type(h, jnp.int32)
    r = u + 0x7FFF + (lax.shift_right_logical(u, 16) & 1)
    tab_ref[...] = (lax.shift_right_logical(r[:, :D // 2], 16)
                    | (r[:, D // 2:] & jnp.int32(-65536)))
    nb = None
    for b in range(3):
        hb = h if b == 0 else h + jnp.float32(0.1 * b)
        u = jnp.dot(hb.astype(jnp.bfloat16), W1,
                    preferred_element_type=jnp.float32) + b1
        gl = _gelu_exact(u)
        logit = jnp.dot(gl.astype(jnp.bfloat16), w2,
                        preferred_element_type=jnp.float32) + b2
        s = jax.nn.sigmoid(logit)
        tgt = jnp.clip(jnp.round(s * (N - 1)).astype(jnp.int32), 0, N - 1)
        if b == 0:
            nb = jnp.clip(jnp.round(s / THRESH).astype(jnp.int32), 1, 3)
            ptr = tgt
        else:
            ptr = jnp.where(b < nb, tgt, 0)
        outs[b][...] = ptr + row_off


def _compute_pointers(hf, W1, b1, W2, b2):
    grid = (F // BM_PTR,)
    out = pl.pallas_call(
        _ptr_body,
        grid=grid,
        in_specs=[
            pl.BlockSpec((BM_PTR, D), lambda i: (i, 0)),
            pl.BlockSpec((D, D // 2), lambda i: (0, 0)),
            pl.BlockSpec((1, D // 2), lambda i: (0, 0)),
            pl.BlockSpec((D // 2, 1), lambda i: (0, 0)),
            pl.BlockSpec((1, 1), lambda i: (0, 0)),
        ],
        out_specs=[pl.BlockSpec((BM_PTR, 1), lambda i: (i, 0))] * 3
        + [pl.BlockSpec((BM_PTR, D // 2), lambda i: (i, 0))],
        out_shape=[jax.ShapeDtypeStruct((F, 1), jnp.int32)] * 3
        + [jax.ShapeDtypeStruct((F, D // 2), jnp.int32)],
    )(hf, W1, b1.reshape(1, -1), W2, b2.reshape(1, 1))
    return out


def _prep_body(Wv_ref, Wt1_ref, Wt2_ref, Wo_ref, bt2_ref,
               M1_ref, M2_ref, M3_ref, c0_ref):
    Wv = Wv_ref[...].astype(jnp.bfloat16)
    Wo = Wo_ref[...].astype(jnp.bfloat16)
    M1_ref[...] = jnp.dot(Wv, Wt1_ref[:D, :].astype(jnp.bfloat16), preferred_element_type=jnp.float32)
    M2_ref[...] = jnp.dot(Wv, Wt1_ref[D:, :].astype(jnp.bfloat16), preferred_element_type=jnp.float32)
    M3_ref[...] = jnp.dot(Wt2_ref[...].astype(jnp.bfloat16), Wo, preferred_element_type=jnp.float32)
    c0_ref[...] = jnp.dot(bt2_ref[...].astype(jnp.bfloat16), Wo, preferred_element_type=jnp.float32)


def _prep_weights(Wv, Wt1, Wt2, Wo, bt2):
    return pl.pallas_call(
        _prep_body,
        out_shape=[
            jax.ShapeDtypeStruct((D, D), jnp.float32),
            jax.ShapeDtypeStruct((D, D), jnp.float32),
            jax.ShapeDtypeStruct((D, D), jnp.float32),
            jax.ShapeDtypeStruct((1, D), jnp.float32),
        ],
    )(Wv, Wt1, Wt2, Wo, bt2.reshape(1, -1))


def _unlo(w):
    return lax.bitcast_convert_type(lax.shift_left(w, 16), jnp.float32)


def _unhi(w):
    return lax.bitcast_convert_type(w & jnp.int32(-65536), jnp.float32)


def _dense_body(h_ref, t0_ref, t1_ref, t2_ref,
                M1_ref, M2_ref, M3_ref, bt1_ref, c0_ref, o_ref):
    t = h_ref[...]
    w0 = t0_ref[...]
    w1 = t1_ref[...]
    w2 = t2_ref[...]
    Dh = D // 2
    third = jnp.float32(1.0 / 3.0)
    g_lo = ((_unlo(w0) + _unlo(w1) + _unlo(w2)) * third).astype(jnp.bfloat16)
    g_hi = ((_unhi(w0) + _unhi(w1) + _unhi(w2)) * third).astype(jnp.bfloat16)
    pre = (jnp.dot(_unlo(t).astype(jnp.bfloat16),
                   M1_ref[:Dh, :].astype(jnp.bfloat16),
                   preferred_element_type=jnp.float32)
           + jnp.dot(_unhi(t).astype(jnp.bfloat16),
                     M1_ref[Dh:, :].astype(jnp.bfloat16),
                     preferred_element_type=jnp.float32)
           + jnp.dot(g_lo, M2_ref[:Dh, :].astype(jnp.bfloat16),
                     preferred_element_type=jnp.float32)
           + jnp.dot(g_hi, M2_ref[Dh:, :].astype(jnp.bfloat16),
                     preferred_element_type=jnp.float32)
           + bt1_ref[...])
    act = _gelu_exact(pre)
    o_ref[...] = jnp.dot(act.astype(jnp.bfloat16), M3_ref[...].astype(jnp.bfloat16),
                         preferred_element_type=jnp.float32) + c0_ref[...]


def _dense(hf, t0, t1, t2, M1, M2, M3, bt1, c0):
    grid = (F // BM_C,)
    return pl.pallas_call(
        _dense_body,
        grid=grid,
        in_specs=[
            pl.BlockSpec((BM_C, D // 2), lambda i: (i, 0)),
            pl.BlockSpec((BM_C, D // 2), lambda i: (i, 0)),
            pl.BlockSpec((BM_C, D // 2), lambda i: (i, 0)),
            pl.BlockSpec((BM_C, D // 2), lambda i: (i, 0)),
            pl.BlockSpec((D, D), lambda i: (0, 0)),
            pl.BlockSpec((D, D), lambda i: (0, 0)),
            pl.BlockSpec((D, D), lambda i: (0, 0)),
            pl.BlockSpec((1, D), lambda i: (0, 0)),
            pl.BlockSpec((1, D), lambda i: (0, 0)),
        ],
        out_specs=pl.BlockSpec((BM_C, D), lambda i: (i, 0)),
        out_shape=jax.ShapeDtypeStruct((F, D), jnp.float32),
    )(hf, t0, t1, t2, M1, M2, M3, bt1.reshape(1, -1), c0)


try:
    from jax.experimental.pallas import tpu_sc as plsc
    _SC_INFO = None

    def _sc_info():
        global _SC_INFO
        if _SC_INFO is None:
            _SC_INFO = plsc.get_sparse_core_info()
        return _SC_INFO
except ImportError:
    plsc = None

_CHUNK = 16


def _gather_avg_body(tab_hbm, i0_hbm, i1_hbm, i2_hbm,
                     t0_hbm, t1_hbm, t2_hbm,
                     idx0_v, idx1_v, idx2_v,
                     a0, a1, a2, b0, b1, b2,
                     gsa, gsb, wsa, wsb):
    nc = 2
    wid = lax.axis_index("s") * nc + lax.axis_index("c")
    nw = 32
    rows_per_w = F // nw
    nchunks = rows_per_w // _CHUNK
    row0 = wid * rows_per_w

    pltpu.sync_copy(i0_hbm.at[pl.ds(row0, rows_per_w)], idx0_v)
    pltpu.sync_copy(i1_hbm.at[pl.ds(row0, rows_per_w)], idx1_v)
    pltpu.sync_copy(i2_hbm.at[pl.ds(row0, rows_per_w)], idx2_v)

    idxs = (idx0_v, idx1_v, idx2_v)
    outs = (t0_hbm, t1_hbm, t2_hbm)
    bufs = ((a0, a1, a2), (b0, b1, b2))
    gsems = (gsa, gsb)
    wsems = (wsa, wsb)

    def _fire_gathers(k, s):
        koff = k * _CHUNK
        for br in range(3):
            pltpu.async_copy(tab_hbm.at[idxs[br].at[pl.ds(koff, _CHUNK)]],
                             bufs[s][br], gsems[s])

    def _wait_gathers(s):
        for br in range(3):
            pltpu.make_async_copy(tab_hbm.at[idxs[br].at[pl.ds(0, _CHUNK)]],
                                  bufs[s][br], gsems[s]).wait()

    def _wait_wbs(s):
        for br in range(3):
            pltpu.make_async_copy(bufs[s][br],
                                  outs[br].at[pl.ds(row0, _CHUNK)],
                                  wsems[s]).wait()

    _fire_gathers(0, 0)
    _fire_gathers(1, 1)

    def pair_body(p, _):
        for s in range(2):
            k = p * 2 + s
            _wait_gathers(s)
            base = pl.multiple_of(row0 + k * _CHUNK, _CHUNK)
            for br in range(3):
                pltpu.async_copy(bufs[s][br], outs[br].at[pl.ds(base, _CHUNK)],
                                 wsems[s])

            @pl.when(k + 2 < nchunks)
            def _():
                _wait_wbs(s)
                _fire_gathers(k + 2, s)
        return 0

    lax.fori_loop(0, nchunks // 2, pair_body, 0)
    _wait_wbs(0)
    _wait_wbs(1)


def _gather_avg(hf, i0, i1, i2):
    import functools as _ft
    mesh = plsc.VectorSubcoreMesh(core_axis_name="c", subcore_axis_name="s")
    kfn = _ft.partial(
        pl.kernel,
        mesh=mesh,
        out_type=[jax.ShapeDtypeStruct((F, D // 2), jnp.int32)] * 3,
        scratch_types=[
            pltpu.VMEM((F // 32,), jnp.int32),
            pltpu.VMEM((F // 32,), jnp.int32),
            pltpu.VMEM((F // 32,), jnp.int32),
            pltpu.VMEM((_CHUNK, D // 2), jnp.int32),
            pltpu.VMEM((_CHUNK, D // 2), jnp.int32),
            pltpu.VMEM((_CHUNK, D // 2), jnp.int32),
            pltpu.VMEM((_CHUNK, D // 2), jnp.int32),
            pltpu.VMEM((_CHUNK, D // 2), jnp.int32),
            pltpu.VMEM((_CHUNK, D // 2), jnp.int32),
            pltpu.SemaphoreType.DMA,
            pltpu.SemaphoreType.DMA,
            pltpu.SemaphoreType.DMA,
            pltpu.SemaphoreType.DMA,
        ],
    )(_gather_avg_body)
    return kfn(hf, i0, i1, i2)


def kernel(h, W1, b1, W2, b2, Wv, Wt1, bt1, Wt2, bt2, Wo):
    hf = h.reshape(F, D)
    p0, p1, p2, tab = _compute_pointers(hf, W1, b1, W2, b2)
    i0, i1, i2 = p0.reshape(F), p1.reshape(F), p2.reshape(F)
    t0, t1, t2 = _gather_avg(tab, i0, i1, i2)
    M1, M2, M3, c0 = _prep_weights(Wv, Wt1, Wt2, Wo, bt2)
    z = _dense(tab, t0, t1, t2, M1, M2, M3, bt1, c0)
    return z.reshape(B, N, D)

# --- scband reference (transcript-rebuilt; emitter-appended) ---
"""Pipeline reference for scband-pointer-block-9088150798676 (READ-ONLY COPY).

The authoritative reference and input builder live on the scoring server;
editing this copy changes nothing except your own understanding.
"""

import jax, jax.numpy as jnp
import numpy as np

B, N, D = 2, 4096, 1024
THRESH = 0.3
MAX_BRANCHES = 3


def _gelu(x):
    return jax.nn.gelu(x, approximate=False)


def _rel_enc(x, W1, b1, W2, b2):
    # nn.Sequential(Linear(d, d//2), GELU(), Linear(d//2, 1))
    return _gelu(x @ W1 + b1) @ W2 + b2


def _gather_by_pointer(src, ptr):
    # src: [B, N, d], ptr: [B, N] int -> [B, N, d]
    n = src.shape[1]
    p = jnp.clip(ptr, 0, n - 1)
    return jnp.take_along_axis(src, p[..., None], axis=1)


def setup_inputs(seed: int = 0) -> dict:
    key = jax.random.key(seed)
    ks = jax.random.split(key, 8)
    init_std = 0.02 / np.sqrt(D)
    h = jax.random.normal(ks[0], (B, N, D), dtype=jnp.float32)
    W1 = (jax.random.normal(ks[1], (D, D // 2), dtype=jnp.float32) * 0.02)
    b1 = jnp.zeros((D // 2,), dtype=jnp.float32)
    W2 = (jax.random.normal(ks[2], (D // 2, 1), dtype=jnp.float32) * 0.02)
    b2 = jnp.zeros((1,), dtype=jnp.float32)
    Wv = (jax.random.normal(ks[3], (D, D), dtype=jnp.float32) * init_std)
    Wt1 = (jax.random.normal(ks[4], (2 * D, D), dtype=jnp.float32) * 0.02)
    bt1 = jnp.zeros((D,), dtype=jnp.float32)
    Wt2 = (jax.random.normal(ks[5], (D, D), dtype=jnp.float32) * 0.02)
    bt2 = jnp.zeros((D,), dtype=jnp.float32)
    Wo = (jax.random.normal(ks[6], (D, D), dtype=jnp.float32) * init_std)
    return {"h": h, "W1": W1, "b1": b1, "W2": W2, "b2": b2, "Wv": Wv,
            "Wt1": Wt1, "bt1": bt1, "Wt2": Wt2, "bt2": bt2, "Wo": Wo}


def reference(h, W1, b1, W2, b2, Wv, Wt1, bt1, Wt2, bt2, Wo):
    # PointerBlock.forward with multi_hop=1, prev_idx=None
    Bb, Nn, Dd = h.shape
    # _compute_pure_relations
    base_logits = _rel_enc(h, W1, b1, W2, b2)            # [B, N, 1]
    base_strength = jax.nn.sigmoid(base_logits)
    num_branches = jnp.clip(jnp.round(base_strength / THRESH).astype(jnp.int32), 1, MAX_BRANCHES)  # [B,N,1]
    all_pointers = []
    for b in range(MAX_BRANCHES):
        branch_logits = _rel_enc(h + 0.1 * b, W1, b1, W2, b2)[..., 0]   # [B, N]
        branch_targets = jnp.round(jax.nn.sigmoid(branch_logits) * (Nn - 1)).astype(jnp.int32)
        active = b < num_branches[..., 0]                                # [B, N]
        branch_targets = jnp.where(active, branch_targets, jnp.zeros_like(branch_targets))
        all_pointers.append(branch_targets)
    # _pure_relation_aggregation (list-of-tensors branch)
    source_feat = h @ Wv
    multi_hop_feats = []
    for ptr in all_pointers:
        target_feat = _gather_by_pointer(h, ptr) @ Wv
        multi_hop_feats.append(jnp.concatenate([source_feat, target_feat], axis=-1))
    relation_input = jnp.mean(jnp.stack(multi_hop_feats), axis=0)        # [B, N, 2d]
    rel = _gelu(relation_input @ Wt1 + bt1) @ Wt2 + bt2                  # [B, N, d]
    z = rel @ Wo                                                         # o_proj
    return z

if __name__ == "__main__":
    import jax
    _d = setup_inputs()
    print(jax.jit(kernel)(*tuple(_d.values())))

</pallas_src>

<mosaic_0001>
#map = affine_map<(d0, d1) -> (0, 0)>
#map1 = affine_map<(d0, d1) -> (0)>
module attributes {stable_mosaic.version = 14 : i64} {
  func.func @_gather_avg_body(%arg0: i32, %arg1: i32, %arg2: memref<8192x512xi32, #tpu.memory_space<hbm>>, %arg3: memref<8192xi32, #tpu.memory_space<hbm>>, %arg4: memref<8192xi32, #tpu.memory_space<hbm>>, %arg5: memref<8192xi32, #tpu.memory_space<hbm>>, %arg6: memref<8192x512xi32, #tpu.memory_space<hbm>>, %arg7: memref<8192x512xi32, #tpu.memory_space<hbm>>, %arg8: memref<8192x512xi32, #tpu.memory_space<hbm>>, %arg9: memref<256xi32, #tpu.memory_space<vmem>>, %arg10: memref<256xi32, #tpu.memory_space<vmem>>, %arg11: memref<256xi32, #tpu.memory_space<vmem>>, %arg12: memref<16x512xi32, #tpu.memory_space<vmem>>, %arg13: memref<16x512xi32, #tpu.memory_space<vmem>>, %arg14: memref<16x512xi32, #tpu.memory_space<vmem>>, %arg15: memref<16x512xi32, #tpu.memory_space<vmem>>, %arg16: memref<16x512xi32, #tpu.memory_space<vmem>>, %arg17: memref<16x512xi32, #tpu.memory_space<vmem>>, %arg18: memref<!tpu.dma_semaphore, #tpu.memory_space<semaphore_mem>>, %arg19: memref<!tpu.dma_semaphore, #tpu.memory_space<semaphore_mem>>, %arg20: memref<!tpu.dma_semaphore, #tpu.memory_space<semaphore_mem>>, %arg21: memref<!tpu.dma_semaphore, #tpu.memory_space<semaphore_mem>>) attributes {dimension_semantics = [#tpu.dimension_semantics<core_parallel>, #tpu.dimension_semantics<subcore_parallel>], iteration_bounds = array<i64: 2, 16>, scalar_prefetch = 0 : i64, scratch_operands = 13 : i64, tpu.core_type = #tpu.core_type<sc_vector_subcore>, window_params = [{transform_indices = #map}, {transform_indices = #map1}, {transform_indices = #map1}, {transform_indices = #map1}, {transform_indices = #map}, {transform_indices = #map}, {transform_indices = #map}]} {
    %mul3A = arith.constant 2 : i32
    %mul3A_0 = arith.muli %arg1, %mul3A : i32
    %add3A = arith.addi %mul3A_0, %arg0 : i32
    %mul3A_1 = arith.constant 256 : i32
    %mul3A_2 = arith.muli %add3A, %mul3A_1 : i32
    "tpu.region"() ({
      %run_scoped3A = tpu.sem_alloc : memref<!tpu.dma_semaphore, #tpu.memory_space<semaphore_mem>>
      %dma_start3A_61 = tpu.memref_slice %arg3[%mul3A_2] : memref<8192xi32, #tpu.memory_space<hbm>> -> memref<256xi32, #tpu.memory_space<hbm>>
      %dma_start3A_62 = tpu.memref_slice %arg3[%mul3A_2] : memref<8192xi32, #tpu.memory_space<hbm>> -> memref<256xi32, #tpu.memory_space<hbm>>
      tpu.enqueue_dma source(%dma_start3A_62 : memref<256xi32, #tpu.memory_space<hbm>>) target(%arg9 : memref<256xi32, #tpu.memory_space<vmem>>) target_semaphore(%run_scoped3A : memref<!tpu.dma_semaphore, #tpu.memory_space<semaphore_mem>>)
      %dma_wait3A_63 = tpu.memref_slice %arg3[%mul3A_2] : memref<8192xi32, #tpu.memory_space<hbm>> -> memref<256xi32, #tpu.memory_space<hbm>>
      %dma_wait3A_64 = tpu.memref_slice %arg3[%mul3A_2] : memref<8192xi32, #tpu.memory_space<hbm>> -> memref<256xi32, #tpu.memory_space<hbm>>
      tpu.wait_dma2 semaphore(%run_scoped3A : memref<!tpu.dma_semaphore, #tpu.memory_space<semaphore_mem>>) src(%dma_wait3A_64 : memref<256xi32, #tpu.memory_space<hbm>>) dst(%arg9 : memref<256xi32, #tpu.memory_space<vmem>>)
      tpu.yield
    }) : () -> ()
    "tpu.region"() ({
      %run_scoped3A = tpu.sem_alloc : memref<!tpu.dma_semaphore, #tpu.memory_space<semaphore_mem>>
      %dma_start3A_61 = tpu.memref_slice %arg4[%mul3A_2] : memref<8192xi32, #tpu.memory_space<hbm>> -> memref<256xi32, #tpu.memory_space<hbm>>
      %dma_start3A_62 = tpu.memref_slice %arg4[%mul3A_2] : memref<8192xi32, #tpu.memory_space<hbm>> -> memref<256xi32, #tpu.memory_space<hbm>>
      tpu.enqueue_dma source(%dma_start3A_62 : memref<256xi32, #tpu.memory_space<hbm>>) target(%arg10 : memref<256xi32, #tpu.memory_space<vmem>>) target_semaphore(%run_scoped3A : memref<!tpu.dma_semaphore, #tpu.memory_space<semaphore_mem>>)
      %dma_wait3A_63 = tpu.memref_slice %arg4[%mul3A_2] : memref<8192xi32, #tpu.memory_space<hbm>> -> memref<256xi32, #tpu.memory_space<hbm>>
      %dma_wait3A_64 = tpu.memref_slice %arg4[%mul3A_2] : memref<8192xi32, #tpu.memory_space<hbm>> -> memref<256xi32, #tpu.memory_space<hbm>>
      tpu.wait_dma2 semaphore(%run_scoped3A : memref<!tpu.dma_semaphore, #tpu.memory_space<semaphore_mem>>) src(%dma_wait3A_64 : memref<256xi32, #tpu.memory_space<hbm>>) dst(%arg10 : memref<256xi32, #tpu.memory_space<vmem>>)
      tpu.yield
    }) : () -> ()
    "tpu.region"() ({
      %run_scoped3A = tpu.sem_alloc : memref<!tpu.dma_semaphore, #tpu.memory_space<semaphore_mem>>
      %dma_start3A_61 = tpu.memref_slice %arg5[%mul3A_2] : memref<8192xi32, #tpu.memory_space<hbm>> -> memref<256xi32, #tpu.memory_space<hbm>>
      %dma_start3A_62 = tpu.memref_slice %arg5[%mul3A_2] : memref<8192xi32, #tpu.memory_space<hbm>> -> memref<256xi32, #tpu.memory_space<hbm>>
      tpu.enqueue_dma source(%dma_start3A_62 : memref<256xi32, #tpu.memory_space<hbm>>) target(%arg11 : memref<256xi32, #tpu.memory_space<vmem>>) target_semaphore(%run_scoped3A : memref<!tpu.dma_semaphore, #tpu.memory_space<semaphore_mem>>)
      %dma_wait3A_63 = tpu.memref_slice %arg5[%mul3A_2] : memref<8192xi32, #tpu.memory_space<hbm>> -> memref<256xi32, #tpu.memory_space<hbm>>
      %dma_wait3A_64 = tpu.memref_slice %arg5[%mul3A_2] : memref<8192xi32, #tpu.memory_space<hbm>> -> memref<256xi32, #tpu.memory_space<hbm>>
      tpu.wait_dma2 semaphore(%run_scoped3A : memref<!tpu.dma_semaphore, #tpu.memory_space<semaphore_mem>>) src(%dma_wait3A_64 : memref<256xi32, #tpu.memory_space<hbm>>) dst(%arg11 : memref<256xi32, #tpu.memory_space<vmem>>)
      tpu.yield
    }) : () -> ()
    %dma_start3A = arith.constant 0 : i32
    %dma_start3A_3 = tpu.memref_slice %arg9[%dma_start3A] : memref<256xi32, #tpu.memory_space<vmem>> -> memref<16xi32, #tpu.memory_space<vmem>>
    %dma_start3A_4 = arith.constant 0 : i32
    %dma_start3A_5 = arith.constant 0 : i32
    %dma_start3A_6 = tpu.memref_slice %arg2[%dma_start3A_4, %dma_start3A_5] : memref<8192x512xi32, #tpu.memory_space<hbm>> -> memref<8192x512xi32, #tpu.memory_space<hbm>>
    tpu.enqueue_indirect_dma source(%dma_start3A_6 : memref<8192x512xi32, #tpu.memory_space<hbm>>) target(%arg12 : memref<16x512xi32, #tpu.memory_space<vmem>>) offsets(%dma_start3A_3 : memref<16xi32, #tpu.memory_space<vmem>>) semaphore(%arg18 : memref<!tpu.dma_semaphore, #tpu.memory_space<semaphore_mem>>)
    %dma_start3A_7 = arith.constant 0 : i32
    %dma_start3A_8 = tpu.memref_slice %arg10[%dma_start3A_7] : memref<256xi32, #tpu.memory_space<vmem>> -> memref<16xi32, #tpu.memory_space<vmem>>
    %dma_start3A_9 = arith.constant 0 : i32
    %dma_start3A_10 = arith.constant 0 : i32
    %dma_start3A_11 = tpu.memref_slice %arg2[%dma_start3A_9, %dma_start3A_10] : memref<8192x512xi32, #tpu.memory_space<hbm>> -> memref<8192x512xi32, #tpu.memory_space<hbm>>
    tpu.enqueue_indirect_dma source(%dma_start3A_11 : memref<8192x512xi32, #tpu.memory_space<hbm>>) target(%arg13 : memref<16x512xi32, #tpu.memory_space<vmem>>) offsets(%dma_start3A_8 : memref<16xi32, #tpu.memory_space<vmem>>) semaphore(%arg18 : memref<!tpu.dma_semaphore, #tpu.memory_space<semaphore_mem>>)
    %dma_start3A_12 = arith.constant 0 : i32
    %dma_start3A_13 = tpu.memref_slice %arg11[%dma_start3A_12] : memref<256xi32, #tpu.memory_space<vmem>> -> memref<16xi32, #tpu.memory_space<vmem>>
    %dma_start3A_14 = arith.constant 0 : i32
    %dma_start3A_15 = arith.constant 0 : i32
    %dma_start3A_16 = tpu.memref_slice %arg2[%dma_start3A_14, %dma_start3A_15] : memref<8192x512xi32, #tpu.memory_space<hbm>> -> memref<8192x512xi32, #tpu.memory_space<hbm>>
    tpu.enqueue_indirect_dma source(%dma_start3A_16 : memref<8192x512xi32, #tpu.memory_space<hbm>>) target(%arg14 : memref<16x512xi32, #tpu.memory_space<vmem>>) offsets(%dma_start3A_13 : memref<16xi32, #tpu.memory_space<vmem>>) semaphore(%arg18 : memref<!tpu.dma_semaphore, #tpu.memory_space<semaphore_mem>>)
    %dma_start3A_17 = arith.constant 16 : i32
    %dma_start3A_18 = tpu.memref_slice %arg9[%dma_start3A_17] : memref<256xi32, #tpu.memory_space<vmem>> -> memref<16xi32, #tpu.memory_space<vmem>>
    %dma_start3A_19 = arith.constant 0 : i32
    %dma_start3A_20 = arith.constant 0 : i32
    %dma_start3A_21 = tpu.memref_slice %arg2[%dma_start3A_19, %dma_start3A_20] : memref<8192x512xi32, #tpu.memory_space<hbm>> -> memref<8192x512xi32, #tpu.memory_space<hbm>>
    tpu.enqueue_indirect_dma source(%dma_start3A_21 : memref<8192x512xi32, #tpu.memory_space<hbm>>) target(%arg15 : memref<16x512xi32, #tpu.memory_space<vmem>>) offsets(%dma_start3A_18 : memref<16xi32, #tpu.memory_space<vmem>>) semaphore(%arg19 : memref<!tpu.dma_semaphore, #tpu.memory_space<semaphore_mem>>)
    %dma_start3A_22 = arith.constant 16 : i32
    %dma_start3A_23 = tpu.memref_slice %arg10[%dma_start3A_22] : memref<256xi32, #tpu.memory_space<vmem>> -> memref<16xi32, #tpu.memory_space<vmem>>
    %dma_start3A_24 = arith.constant 0 : i32
    %dma_start3A_25 = arith.constant 0 : i32
    %dma_start3A_26 = tpu.memref_slice %arg2[%dma_start3A_24, %dma_start3A_25] : memref<8192x512xi32, #tpu.memory_space<hbm>> -> memref<8192x512xi32, #tpu.memory_space<hbm>>
    tpu.enqueue_indirect_dma source(%dma_start3A_26 : memref<8192x512xi32, #tpu.memory_space<hbm>>) target(%arg16 : memref<16x512xi32, #tpu.memory_space<vmem>>) offsets(%dma_start3A_23 : memref<16xi32, #tpu.memory_space<vmem>>) semaphore(%arg19 : memref<!tpu.dma_semaphore, #tpu.memory_space<semaphore_mem>>)
    %dma_start3A_27 = arith.constant 16 : i32
    %dma_start3A_28 = tpu.memref_slice %arg11[%dma_start3A_27] : memref<256xi32, #tpu.memory_space<vmem>> -> memref<16xi32, #tpu.memory_space<vmem>>
    %dma_start3A_29 = arith.constant 0 : i32
    %dma_start3A_30 = arith.constant 0 : i32
    %dma_start3A_31 = tpu.memref_slice %arg2[%dma_start3A_29, %dma_start3A_30] : memref<8192x512xi32, #tpu.memory_space<hbm>> -> memref<8192x512xi32, #tpu.memory_space<hbm>>
    tpu.enqueue_indirect_dma source(%dma_start3A_31 : memref<8192x512xi32, #tpu.memory_space<hbm>>) target(%arg17 : memref<16x512xi32, #tpu.memory_space<vmem>>) offsets(%dma_start3A_28 : memref<16xi32, #tpu.memory_space<vmem>>) semaphore(%arg19 : memref<!tpu.dma_semaphore, #tpu.memory_space<semaphore_mem>>)
    %scan3A = arith.constant 0 : i32
    %scan3A_32 = arith.constant 0 : i32
    %scan3A_33 = arith.constant 8 : i32
    %scan3A_34 = arith.addi %scan3A_32, %scan3A_33 : i32
    %scan3A_35 = arith.constant 1 : i32
    %scan3A_36 = scf.for %scan3A_61 = %scan3A_32 to %scan3A_34 step %scan3A_35 iter_args(%scan3A_62 = %scan3A) -> (i32)  : i32 {
      %mul3A_63 = arith.constant 2 : i32
      %mul3A_64 = arith.muli %scan3A_61, %mul3A_63 : i32
      %add3A_65 = arith.constant 0 : i32
      %add3A_66 = arith.addi %mul3A_64, %add3A_65 : i32
      %dma_wait3A_67 = arith.constant 0 : i32
      %dma_wait3A_68 = tpu.memref_slice %arg9[%dma_wait3A_67] : memref<256xi32, #tpu.memory_space<vmem>> -> memref<16xi32, #tpu.memory_space<vmem>>
      %dma_wait3A_69 = arith.constant 0 : i32
      %dma_wait3A_70 = arith.constant 0 : i32
      %dma_wait3A_71 = tpu.memref_slice %arg2[%dma_wait3A_69, %dma_wait3A_70] : memref<8192x512xi32, #tpu.memory_space<hbm>> -> memref<8192x512xi32, #tpu.memory_space<hbm>>
      tpu.wait_indirect_dma semaphore(%arg18 : memref<!tpu.dma_semaphore, #tpu.memory_space<semaphore_mem>>) src(%dma_wait3A_71 : memref<8192x512xi32, #tpu.memory_space<hbm>>) dst(%arg12 : memref<16x512xi32, #tpu.memory_space<vmem>>)
      %dma_wait3A_72 = arith.constant 0 : i32
      %dma_wait3A_73 = tpu.memref_slice %arg10[%dma_wait3A_72] : memref<256xi32, #tpu.memory_space<vmem>> -> memref<16xi32, #tpu.memory_space<vmem>>
      %dma_wait3A_74 = arith.constant 0 : i32
      %dma_wait3A_75 = arith.constant 0 : i32
      %dma_wait3A_76 = tpu.memref_slice %arg2[%dma_wait3A_74, %dma_wait3A_75] : memref<8192x512xi32, #tpu.memory_space<hbm>> -> memref<8192x512xi32, #tpu.memory_space<hbm>>
      tpu.wait_indirect_dma semaphore(%arg18 : memref<!tpu.dma_semaphore, #tpu.memory_space<semaphore_mem>>) src(%dma_wait3A_76 : memref<8192x512xi32, #tpu.memory_space<hbm>>) dst(%arg13 : memref<16x512xi32, #tpu.memory_space<vmem>>)
      %dma_wait3A_77 = arith.constant 0 : i32
      %dma_wait3A_78 = tpu.memref_slice %arg11[%dma_wait3A_77] : memref<256xi32, #tpu.memory_space<vmem>> -> memref<16xi32, #tpu.memory_space<vmem>>
      %dma_wait3A_79 = arith.constant 0 : i32
      %dma_wait3A_80 = arith.constant 0 : i32
      %dma_wait3A_81 = tpu.memref_slice %arg2[%dma_wait3A_79, %dma_wait3A_80] : memref<8192x512xi32, #tpu.memory_space<hbm>> -> memref<8192x512xi32, #tpu.memory_space<hbm>>
      tpu.wait_indirect_dma semaphore(%arg18 : memref<!tpu.dma_semaphore, #tpu.memory_space<semaphore_mem>>) src(%dma_wait3A_81 : memref<8192x512xi32, #tpu.memory_space<hbm>>) dst(%arg14 : memref<16x512xi32, #tpu.memory_space<vmem>>)
      %mul3A_82 = arith.constant 16 : i32
      %mul3A_83 = arith.muli %add3A_66, %mul3A_82 : i32
      %add3A_84 = arith.addi %mul3A_2, %mul3A_83 : i32
      %multiple_of3A = tpu.assume_multiple %add3A_84, 16 : i32
      %dma_start3A_85 = arith.constant 0 : i32
      %dma_start3A_86 = tpu.memref_slice %arg6[%multiple_of3A, %dma_start3A_85] : memref<8192x512xi32, #tpu.memory_space<hbm>> -> memref<16x512xi32, #tpu.memory_space<hbm>>
      %dma_start3A_87 = arith.constant 0 : i32
      %dma_start3A_88 = tpu.memref_slice %arg6[%multiple_of3A, %dma_start3A_87] : memref<8192x512xi32, #tpu.memory_space<hbm>> -> memref<16x512xi32, #tpu.memory_space<hbm>>
      tpu.enqueue_dma source(%arg12 : memref<16x512xi32, #tpu.memory_space<vmem>>) target(%dma_start3A_88 : memref<16x512xi32, #tpu.memory_space<hbm>>) target_semaphore(%arg20 : memref<!tpu.dma_semaphore, #tpu.memory_space<semaphore_mem>>)
      %dma_start3A_89 = arith.constant 0 : i32
      %dma_start3A_90 = tpu.memref_slice %arg7[%multiple_of3A, %dma_start3A_89] : memref<8192x512xi32, #tpu.memory_space<hbm>> -> memref<16x512xi32, #tpu.memory_space<hbm>>
      %dma_start3A_91 = arith.constant 0 : i32
      %dma_start3A_92 = tpu.memref_slice %arg7[%multiple_of3A, %dma_start3A_91] : memref<8192x512xi32, #tpu.memory_space<hbm>> -> memref<16x512xi32, #tpu.memory_space<hbm>>
      tpu.enqueue_dma source(%arg13 : memref<16x512xi32, #tpu.memory_space<vmem>>) target(%dma_start3A_92 : memref<16x512xi32, #tpu.memory_space<hbm>>) target_semaphore(%arg20 : memref<!tpu.dma_semaphore, #tpu.memory_space<semaphore_mem>>)
      %dma_start3A_93 = arith.constant 0 : i32
      %dma_start3A_94 = tpu.memref_slice %arg8[%multiple_of3A, %dma_start3A_93] : memref<8192x512xi32, #tpu.memory_space<hbm>> -> memref<16x512xi32, #tpu.memory_space<hbm>>
      %dma_start3A_95 = arith.constant 0 : i32
      %dma_start3A_96 = tpu.memref_slice %arg8[%multiple_of3A, %dma_start3A_95] : memref<8192x512xi32, #tpu.memory_space<hbm>> -> memref<16x512xi32, #tpu.memory_space<hbm>>
      tpu.enqueue_dma source(%arg14 : memref<16x512xi32, #tpu.memory_space<vmem>>) target(%dma_start3A_96 : memref<16x512xi32, #tpu.memory_space<hbm>>) target_semaphore(%arg20 : memref<!tpu.dma_semaphore, #tpu.memory_space<semaphore_mem>>)
      %add3A_97 = arith.constant 2 : i32
      %add3A_98 = arith.addi %add3A_66, %add3A_97 : i32
      %lt3A = arith.constant 16 : i32
      %lt3A_99 = arith.cmpi slt, %add3A_98, %lt3A : i32
      %convert_element_type3A = arith.extui %lt3A_99 : i1 to i32
      %cond3A = arith.constant 0 : i32
      %cond3A_100 = arith.cmpi ne, %convert_element_type3A, %cond3A : i32
      scf.if %cond3A_100 {
        %dma_wait3A_144 = arith.constant 0 : i32
        %dma_wait3A_145 = tpu.memref_slice %arg6[%mul3A_2, %dma_wait3A_144] : memref<8192x512xi32, #tpu.memory_space<hbm>> -> memref<16x512xi32, #tpu.memory_space<hbm>>
        %dma_wait3A_146 = arith.constant 0 : i32
        %dma_wait3A_147 = tpu.memref_slice %arg6[%mul3A_2, %dma_wait3A_146] : memref<8192x512xi32, #tpu.memory_space<hbm>> -> memref<16x512xi32, #tpu.memory_space<hbm>>
        tpu.wait_dma2 semaphore(%arg20 : memref<!tpu.dma_semaphore, #tpu.memory_space<semaphore_mem>>) src(%arg12 : memref<16x512xi32, #tpu.memory_space<vmem>>) dst(%dma_wait3A_147 : memref<16x512xi32, #tpu.memory_space<hbm>>)
        %dma_wait3A_148 = arith.constant 0 : i32
        %dma_wait3A_149 = tpu.memref_slice %arg7[%mul3A_2, %dma_wait3A_148] : memref<8192x512xi32, #tpu.memory_space<hbm>> -> memref<16x512xi32, #tpu.memory_space<hbm>>
        %dma_wait3A_150 = arith.constant 0 : i32
        %dma_wait3A_151 = tpu.memref_slice %arg7[%mul3A_2, %dma_wait3A_150] : memref<8192x512xi32, #tpu.memory_space<hbm>> -> memref<16x512xi32, #tpu.memory_space<hbm>>
        tpu.wait_dma2 semaphore(%arg20 : memref<!tpu.dma_semaphore, #tpu.memory_space<semaphore_mem>>) src(%arg13 : memref<16x512xi32, #tpu.memory_space<vmem>>) dst(%dma_wait3A_151 : memref<16x512xi32, #tpu.memory_space<hbm>>)
        %dma_wait3A_152 = arith.constant 0 : i32
        %dma_wait3A_153 = tpu.memref_slice %arg8[%mul3A_2, %dma_wait3A_152] : memref<8192x512xi32, #tpu.memory_space<hbm>> -> memref<16x512xi32, #tpu.memory_space<hbm>>
        %dma_wait3A_154 = arith.constant 0 : i32
        %dma_wait3A_155 = tpu.memref_slice %arg8[%mul3A_2, %dma_wait3A_154] : memref<8192x512xi32, #tpu.memory_space<hbm>> -> memref<16x512xi32, #tpu.memory_space<hbm>>
        tpu.wait_dma2 semaphore(%arg20 : memref<!tpu.dma_semaphore, #tpu.memory_space<semaphore_mem>>) src(%arg14 : memref<16x512xi32, #tpu.memory_space<vmem>>) dst(%dma_wait3A_155 : memref<16x512xi32, #tpu.memory_space<hbm>>)
        %add3A_156 = arith.constant 2 : i32
        %add3A_157 = arith.addi %add3A_66, %add3A_156 : i32
        %mul3A_158 = arith.constant 16 : i32
        %mul3A_159 = arith.muli %add3A_157, %mul3A_158 : i32
        %dma_start3A_160 = tpu.memref_slice %arg9[%mul3A_159] : memref<256xi32, #tpu.memory_space<vmem>> -> memref<16xi32, #tpu.memory_space<vmem>>
        %dma_start3A_161 = arith.constant 0 : i32
        %dma_start3A_162 = arith.constant 0 : i32
        %dma_start3A_163 = tpu.memref_slice %arg2[%dma_start3A_161, %dma_start3A_162] : memref<8192x512xi32, #tpu.memory_space<hbm>> -> memref<8192x512xi32, #tpu.memory_space<hbm>>
        tpu.enqueue_indirect_dma source(%dma_start3A_163 : memref<8192x512xi32, #tpu.memory_space<hbm>>) target(%arg12 : memref<16x512xi32, #tpu.memory_space<vmem>>) offsets(%dma_start3A_160 : memref<16xi32, #tpu.memory_space<vmem>>) semaphore(%arg18 : memref<!tpu.dma_semaphore, #tpu.memory_space<semaphore_mem>>)
        %dma_start3A_164 = tpu.memref_slice %arg10[%mul3A_159] : memref<256xi32, #tpu.memory_space<vmem>> -> memref<16xi32, #tpu.memory_space<vmem>>
        %dma_start3A_165 = arith.constant 0 : i32
        %dma_start3A_166 = arith.constant 0 : i32
        %dma_start3A_167 = tpu.memref_slice %arg2[%dma_start3A_165, %dma_start3A_166] : memref<8192x512xi32, #tpu.memory_space<hbm>> -> memref<8192x512xi32, #tpu.memory_space<hbm>>
        tpu.enqueue_indirect_dma source(%dma_start3A_167 : memref<8192x512xi32, #tpu.memory_space<hbm>>) target(%arg13 : memref<16x512xi32, #tpu.memory_space<vmem>>) offsets(%dma_start3A_164 : memref<16xi32, #tpu.memory_space<vmem>>) semaphore(%arg18 : memref<!tpu.dma_semaphore, #tpu.memory_space<semaphore_mem>>)
        %dma_start3A_168 = tpu.memref_slice %arg11[%mul3A_159] : memref<256xi32, #tpu.memory_space<vmem>> -> memref<16xi32, #tpu.memory_space<vmem>>
        %dma_start3A_169 = arith.constant 0 : i32
        %dma_start3A_170 = arith.constant 0 : i32
        %dma_start3A_171 = tpu.memref_slice %arg2[%dma_start3A_169, %dma_start3A_170] : memref<8192x512xi32, #tpu.memory_space<hbm>> -> memref<8192x512xi32, #tpu.memory_space<hbm>>
        tpu.enqueue_indirect_dma source(%dma_start3A_171 : memref<8192x512xi32, #tpu.memory_space<hbm>>) target(%arg14 : memref<16x512xi32, #tpu.memory_space<vmem>>) offsets(%dma_start3A_168 : memref<16xi32, #tpu.memory_space<vmem>>) semaphore(%arg18 : memref<!tpu.dma_semaphore, #tpu.memory_space<semaphore_mem>>)
      } else {
      }
      %mul3A_101 = arith.constant 2 : i32
      %mul3A_102 = arith.muli %scan3A_61, %mul3A_101 : i32
      %add3A_103 = arith.constant 1 : i32
      %add3A_104 = arith.addi %mul3A_102, %add3A_103 : i32
      %dma_wait3A_105 = arith.constant 0 : i32
      %dma_wait3A_106 = tpu.memref_slice %arg9[%dma_wait3A_105] : memref<256xi32, #tpu.memory_space<vmem>> -> memref<16xi32, #tpu.memory_space<vmem>>
      %dma_wait3A_107 = arith.constant 0 : i32
      %dma_wait3A_108 = arith.constant 0 : i32
      %dma_wait3A_109 = tpu.memref_slice %arg2[%dma_wait3A_107, %dma_wait3A_108] : memref<8192x512xi32, #tpu.memory_space<hbm>> -> memref<8192x512xi32, #tpu.memory_space<hbm>>
      tpu.wait_indirect_dma semaphore(%arg19 : memref<!tpu.dma_semaphore, #tpu.memory_space<semaphore_mem>>) src(%dma_wait3A_109 : memref<8192x512xi32, #tpu.memory_space<hbm>>) dst(%arg15 : memref<16x512xi32, #tpu.memory_space<vmem>>)
      %dma_wait3A_110 = arith.constant 0 : i32
      %dma_wait3A_111 = tpu.memref_slice %arg10[%dma_wait3A_110] : memref<256xi32, #tpu.memory_space<vmem>> -> memref<16xi32, #tpu.memory_space<vmem>>
      %dma_wait3A_112 = arith.constant 0 : i32
      %dma_wait3A_113 = arith.constant 0 : i32
      %dma_wait3A_114 = tpu.memref_slice %arg2[%dma_wait3A_112, %dma_wait3A_113] : memref<8192x512xi32, #tpu.memory_space<hbm>> -> memref<8192x512xi32, #tpu.memory_space<hbm>>
      tpu.wait_indirect_dma semaphore(%arg19 : memref<!tpu.dma_semaphore, #tpu.memory_space<semaphore_mem>>) src(%dma_wait3A_114 : memref<8192x512xi32, #tpu.memory_space<hbm>>) dst(%arg16 : memref<16x512xi32, #tpu.memory_space<vmem>>)
      %dma_wait3A_115 = arith.constant 0 : i32
      %dma_wait3A_116 = tpu.memref_slice %arg11[%dma_wait3A_115] : memref<256xi32, #tpu.memory_space<vmem>> -> memref<16xi32, #tpu.memory_space<vmem>>
      %dma_wait3A_117 = arith.constant 0 : i32
      %dma_wait3A_118 = arith.constant 0 : i32
      %dma_wait3A_119 = tpu.memref_slice %arg2[%dma_wait3A_117, %dma_wait3A_118] : memref<8192x512xi32, #tpu.memory_space<hbm>> -> memref<8192x512xi32, #tpu.memory_space<hbm>>
      tpu.wait_indirect_dma semaphore(%arg19 : memref<!tpu.dma_semaphore, #tpu.memory_space<semaphore_mem>>) src(%dma_wait3A_119 : memref<8192x512xi32, #tpu.memory_space<hbm>>) dst(%arg17 : memref<16x512xi32, #tpu.memory_space<vmem>>)
      %mul3A_120 = arith.constant 16 : i32
      %mul3A_121 = arith.muli %add3A_104, %mul3A_120 : i32
      %add3A_122 = arith.addi %mul3A_2, %mul3A_121 : i32
      %multiple_of3A_123 = tpu.assume_multiple %add3A_122, 16 : i32
      %dma_start3A_124 = arith.constant 0 : i32
      %dma_start3A_125 = tpu.memref_slice %arg6[%multiple_of3A_123, %dma_start3A_124] : memref<8192x512xi32, #tpu.memory_space<hbm>> -> memref<16x512xi32, #tpu.memory_space<hbm>>
      %dma_start3A_126 = arith.constant 0 : i32
      %dma_start3A_127 = tpu.memref_slice %arg6[%multiple_of3A_123, %dma_start3A_126] : memref<8192x512xi32, #tpu.memory_space<hbm>> -> memref<16x512xi32, #tpu.memory_space<hbm>>
      tpu.enqueue_dma source(%arg15 : memref<16x512xi32, #tpu.memory_space<vmem>>) target(%dma_start3A_127 : memref<16x512xi32, #tpu.memory_space<hbm>>) target_semaphore(%arg21 : memref<!tpu.dma_semaphore, #tpu.memory_space<semaphore_mem>>)
      %dma_start3A_128 = arith.constant 0 : i32
      %dma_start3A_129 = tpu.memref_slice %arg7[%multiple_of3A_123, %dma_start3A_128] : memref<8192x512xi32, #tpu.memory_space<hbm>> -> memref<16x512xi32, #tpu.memory_space<hbm>>
      %dma_start3A_130 = arith.constant 0 : i32
      %dma_start3A_131 = tpu.memref_slice %arg7[%multiple_of3A_123, %dma_start3A_130] : memref<8192x512xi32, #tpu.memory_space<hbm>> -> memref<16x512xi32, #tpu.memory_space<hbm>>
      tpu.enqueue_dma source(%arg16 : memref<16x512xi32, #tpu.memory_space<vmem>>) target(%dma_start3A_131 : memref<16x512xi32, #tpu.memory_space<hbm>>) target_semaphore(%arg21 : memref<!tpu.dma_semaphore, #tpu.memory_space<semaphore_mem>>)
      %dma_start3A_132 = arith.constant 0 : i32
      %dma_start3A_133 = tpu.memref_slice %arg8[%multiple_of3A_123, %dma_start3A_132] : memref<8192x512xi32, #tpu.memory_space<hbm>> -> memref<16x512xi32, #tpu.memory_space<hbm>>
      %dma_start3A_134 = arith.constant 0 : i32
      %dma_start3A_135 = tpu.memref_slice %arg8[%multiple_of3A_123, %dma_start3A_134] : memref<8192x512xi32, #tpu.memory_space<hbm>> -> memref<16x512xi32, #tpu.memory_space<hbm>>
      tpu.enqueue_dma source(%arg17 : memref<16x512xi32, #tpu.memory_space<vmem>>) target(%dma_start3A_135 : memref<16x512xi32, #tpu.memory_space<hbm>>) target_semaphore(%arg21 : memref<!tpu.dma_semaphore, #tpu.memory_space<semaphore_mem>>)
      %add3A_136 = arith.constant 2 : i32
      %add3A_137 = arith.addi %add3A_104, %add3A_136 : i32
      %lt3A_138 = arith.constant 16 : i32
      %lt3A_139 = arith.cmpi slt, %add3A_137, %lt3A_138 : i32
      %convert_element_type3A_140 = arith.extui %lt3A_139 : i1 to i32
      %cond3A_141 = arith.constant 0 : i32
      %cond3A_142 = arith.cmpi ne, %convert_element_type3A_140, %cond3A_141 : i32
      scf.if %cond3A_142 {
        %dma_wait3A_144 = arith.constant 0 : i32
        %dma_wait3A_145 = tpu.memref_slice %arg6[%mul3A_2, %dma_wait3A_144] : memref<8192x512xi32, #tpu.memory_space<hbm>> -> memref<16x512xi32, #tpu.memory_space<hbm>>
        %dma_wait3A_146 = arith.constant 0 : i32
        %dma_wait3A_147 = tpu.memref_slice %arg6[%mul3A_2, %dma_wait3A_146] : memref<8192x512xi32, #tpu.memory_space<hbm>> -> memref<16x512xi32, #tpu.memory_space<hbm>>
        tpu.wait_dma2 semaphore(%arg21 : memref<!tpu.dma_semaphore, #tpu.memory_space<semaphore_mem>>) src(%arg15 : memref<16x512xi32, #tpu.memory_space<vmem>>) dst(%dma_wait3A_147 : memref<16x512xi32, #tpu.memory_space<hbm>>)
        %dma_wait3A_148 = arith.constant 0 : i32
        %dma_wait3A_149 = tpu.memref_slice %arg7[%mul3A_2, %dma_wait3A_148] : memref<8192x512xi32, #tpu.memory_space<hbm>> -> memref<16x512xi32, #tpu.memory_space<hbm>>
        %dma_wait3A_150 = arith.constant 0 : i32
        %dma_wait3A_151 = tpu.memref_slice %arg7[%mul3A_2, %dma_wait3A_150] : memref<8192x512xi32, #tpu.memory_space<hbm>> -> memref<16x512xi32, #tpu.memory_space<hbm>>
        tpu.wait_dma2 semaphore(%arg21 : memref<!tpu.dma_semaphore, #tpu.memory_space<semaphore_mem>>) src(%arg16 : memref<16x512xi32, #tpu.memory_space<vmem>>) dst(%dma_wait3A_151 : memref<16x512xi32, #tpu.memory_space<hbm>>)
        %dma_wait3A_152 = arith.constant 0 : i32
        %dma_wait3A_153 = tpu.memref_slice %arg8[%mul3A_2, %dma_wait3A_152] : memref<8192x512xi32, #tpu.memory_space<hbm>> -> memref<16x512xi32, #tpu.memory_space<hbm>>
        %dma_wait3A_154 = arith.constant 0 : i32
        %dma_wait3A_155 = tpu.memref_slice %arg8[%mul3A_2, %dma_wait3A_154] : memref<8192x512xi32, #tpu.memory_space<hbm>> -> memref<16x512xi32, #tpu.memory_space<hbm>>
        tpu.wait_dma2 semaphore(%arg21 : memref<!tpu.dma_semaphore, #tpu.memory_space<semaphore_mem>>) src(%arg17 : memref<16x512xi32, #tpu.memory_space<vmem>>) dst(%dma_wait3A_155 : memref<16x512xi32, #tpu.memory_space<hbm>>)
        %add3A_156 = arith.constant 2 : i32
        %add3A_157 = arith.addi %add3A_104, %add3A_156 : i32
        %mul3A_158 = arith.constant 16 : i32
        %mul3A_159 = arith.muli %add3A_157, %mul3A_158 : i32
        %dma_start3A_160 = tpu.memref_slice %arg9[%mul3A_159] : memref<256xi32, #tpu.memory_space<vmem>> -> memref<16xi32, #tpu.memory_space<vmem>>
        %dma_start3A_161 = arith.constant 0 : i32
        %dma_start3A_162 = arith.constant 0 : i32
        %dma_start3A_163 = tpu.memref_slice %arg2[%dma_start3A_161, %dma_start3A_162] : memref<8192x512xi32, #tpu.memory_space<hbm>> -> memref<8192x512xi32, #tpu.memory_space<hbm>>
        tpu.enqueue_indirect_dma source(%dma_start3A_163 : memref<8192x512xi32, #tpu.memory_space<hbm>>) target(%arg15 : memref<16x512xi32, #tpu.memory_space<vmem>>) offsets(%dma_start3A_160 : memref<16xi32, #tpu.memory_space<vmem>>) semaphore(%arg19 : memref<!tpu.dma_semaphore, #tpu.memory_space<semaphore_mem>>)
        %dma_start3A_164 = tpu.memref_slice %arg10[%mul3A_159] : memref<256xi32, #tpu.memory_space<vmem>> -> memref<16xi32, #tpu.memory_space<vmem>>
        %dma_start3A_165 = arith.constant 0 : i32
        %dma_start3A_166 = arith.constant 0 : i32
        %dma_start3A_167 = tpu.memref_slice %arg2[%dma_start3A_165, %dma_start3A_166] : memref<8192x512xi32, #tpu.memory_space<hbm>> -> memref<8192x512xi32, #tpu.memory_space<hbm>>
        tpu.enqueue_indirect_dma source(%dma_start3A_167 : memref<8192x512xi32, #tpu.memory_space<hbm>>) target(%arg16 : memref<16x512xi32, #tpu.memory_space<vmem>>) offsets(%dma_start3A_164 : memref<16xi32, #tpu.memory_space<vmem>>) semaphore(%arg19 : memref<!tpu.dma_semaphore, #tpu.memory_space<semaphore_mem>>)
        %dma_start3A_168 = tpu.memref_slice %arg11[%mul3A_159] : memref<256xi32, #tpu.memory_space<vmem>> -> memref<16xi32, #tpu.memory_space<vmem>>
        %dma_start3A_169 = arith.constant 0 : i32
        %dma_start3A_170 = arith.constant 0 : i32
        %dma_start3A_171 = tpu.memref_slice %arg2[%dma_start3A_169, %dma_start3A_170] : memref<8192x512xi32, #tpu.memory_space<hbm>> -> memref<8192x512xi32, #tpu.memory_space<hbm>>
        tpu.enqueue_indirect_dma source(%dma_start3A_171 : memref<8192x512xi32, #tpu.memory_space<hbm>>) target(%arg17 : memref<16x512xi32, #tpu.memory_space<vmem>>) offsets(%dma_start3A_168 : memref<16xi32, #tpu.memory_space<vmem>>) semaphore(%arg19 : memref<!tpu.dma_semaphore, #tpu.memory_space<semaphore_mem>>)
      } else {
      }
      %scan3A_143 = arith.constant 0 : i32
      scf.yield %scan3A_143 : i32
    }
    %scan3A_37 = arith.constant 8 : i32
    %dma_wait3A = arith.constant 0 : i32
    %dma_wait3A_38 = tpu.memref_slice %arg6[%mul3A_2, %dma_wait3A] : memref<8192x512xi32, #tpu.memory_space<hbm>> -> memref<16x512xi32, #tpu.memory_space<hbm>>
    %dma_wait3A_39 = arith.constant 0 : i32
    %dma_wait3A_40 = tpu.memref_slice %arg6[%mul3A_2, %dma_wait3A_39] : memref<8192x512xi32, #tpu.memory_space<hbm>> -> memref<16x512xi32, #tpu.memory_space<hbm>>
    tpu.wait_dma2 semaphore(%arg20 : memref<!tpu.dma_semaphore, #tpu.memory_space<semaphore_mem>>) src(%arg12 : memref<16x512xi32, #tpu.memory_space<vmem>>) dst(%dma_wait3A_40 : memref<16x512xi32, #tpu.memory_space<hbm>>)
    %dma_wait3A_41 = arith.constant 0 : i32
    %dma_wait3A_42 = tpu.memref_slice %arg7[%mul3A_2, %dma_wait3A_41] : memref<8192x512xi32, #tpu.memory_space<hbm>> -> memref<16x512xi32, #tpu.memory_space<hbm>>
    %dma_wait3A_43 = arith.constant 0 : i32
    %dma_wait3A_44 = tpu.memref_slice %arg7[%mul3A_2, %dma_wait3A_43] : memref<8192x512xi32, #tpu.memory_space<hbm>> -> memref<16x512xi32, #tpu.memory_space<hbm>>
    tpu.wait_dma2 semaphore(%arg20 : memref<!tpu.dma_semaphore, #tpu.memory_space<semaphore_mem>>) src(%arg13 : memref<16x512xi32, #tpu.memory_space<vmem>>) dst(%dma_wait3A_44 : memref<16x512xi32, #tpu.memory_space<hbm>>)
    %dma_wait3A_45 = arith.constant 0 : i32
    %dma_wait3A_46 = tpu.memref_slice %arg8[%mul3A_2, %dma_wait3A_45] : memref<8192x512xi32, #tpu.memory_space<hbm>> -> memref<16x512xi32, #tpu.memory_space<hbm>>
    %dma_wait3A_47 = arith.constant 0 : i32
    %dma_wait3A_48 = tpu.memref_slice %arg8[%mul3A_2, %dma_wait3A_47] : memref<8192x512xi32, #tpu.memory_space<hbm>> -> memref<16x512xi32, #tpu.memory_space<hbm>>
    tpu.wait_dma2 semaphore(%arg20 : memref<!tpu.dma_semaphore, #tpu.memory_space<semaphore_mem>>) src(%arg14 : memref<16x512xi32, #tpu.memory_space<vmem>>) dst(%dma_wait3A_48 : memref<16x512xi32, #tpu.memory_space<hbm>>)
    %dma_wait3A_49 = arith.constant 0 : i32
    %dma_wait3A_50 = tpu.memref_slice %arg6[%mul3A_2, %dma_wait3A_49] : memref<8192x512xi32, #tpu.memory_space<hbm>> -> memref<16x512xi32, #tpu.memory_space<hbm>>
    %dma_wait3A_51 = arith.constant 0 : i32
    %dma_wait3A_52 = tpu.memref_slice %arg6[%mul3A_2, %dma_wait3A_51] : memref<8192x512xi32, #tpu.memory_space<hbm>> -> memref<16x512xi32, #tpu.memory_space<hbm>>
    tpu.wait_dma2 semaphore(%arg21 : memref<!tpu.dma_semaphore, #tpu.memory_space<semaphore_mem>>) src(%arg15 : memref<16x512xi32, #tpu.memory_space<vmem>>) dst(%dma_wait3A_52 : memref<16x512xi32, #tpu.memory_space<hbm>>)
    %dma_wait3A_53 = arith.constant 0 : i32
    %dma_wait3A_54 = tpu.memref_slice %arg7[%mul3A_2, %dma_wait3A_53] : memref<8192x512xi32, #tpu.memory_space<hbm>> -> memref<16x512xi32, #tpu.memory_space<hbm>>
    %dma_wait3A_55 = arith.constant 0 : i32
    %dma_wait3A_56 = tpu.memref_slice %arg7[%mul3A_2, %dma_wait3A_55] : memref<8192x512xi32, #tpu.memory_space<hbm>> -> memref<16x512xi32, #tpu.memory_space<hbm>>
    tpu.wait_dma2 semaphore(%arg21 : memref<!tpu.dma_semaphore, #tpu.memory_space<semaphore_mem>>) src(%arg16 : memref<16x512xi32, #tpu.memory_space<vmem>>) dst(%dma_wait3A_56 : memref<16x512xi32, #tpu.memory_space<hbm>>)
    %dma_wait3A_57 = arith.constant 0 : i32
    %dma_wait3A_58 = tpu.memref_slice %arg8[%mul3A_2, %dma_wait3A_57] : memref<8192x512xi32, #tpu.memory_space<hbm>> -> memref<16x512xi32, #tpu.memory_space<hbm>>
    %dma_wait3A_59 = arith.constant 0 : i32
    %dma_wait3A_60 = tpu.memref_slice %arg8[%mul3A_2, %dma_wait3A_59] : memref<8192x512xi32, #tpu.memory_space<hbm>> -> memref<16x512xi32, #tpu.memory_space<hbm>>
    tpu.wait_dma2 semaphore(%arg21 : memref<!tpu.dma_semaphore, #tpu.memory_space<semaphore_mem>>) src(%arg17 : memref<16x512xi32, #tpu.memory_space<vmem>>) dst(%dma_wait3A_60 : memref<16x512xi32, #tpu.memory_space<hbm>>)
    return
  }
}

module attributes {stable_mosaic.version = 14 : i64} {
  func.func @_prep_body(%arg0: memref<1024x1024xf32, #tpu.memory_space<vmem>>, %arg1: memref<2048x1024xf32, #tpu.memory_space<vmem>>, %arg2: memref<1024x1024xf32, #tpu.memory_space<vmem>>, %arg3: memref<1024x1024xf32, #tpu.memory_space<vmem>>, %arg4: memref<1x1024xf32, #tpu.memory_space<vmem>>, %arg5: memref<1024x1024xf32, #tpu.memory_space<vmem>>, %arg6: memref<1024x1024xf32, #tpu.memory_space<vmem>>, %arg7: memref<1024x1024xf32, #tpu.memory_space<vmem>>, %arg8: memref<1x1024xf32, #tpu.memory_space<vmem>>) attributes {dimension_semantics = [], scalar_prefetch = 0 : i64, scratch_operands = 0 : i64, tpu.core_type = #tpu.core_type<tc>} {
    %get3A = arith.constant 0 : index
    %get3A_0 = arith.constant 0 : index
    %get3A_1 = vector.load %arg0[%get3A, %get3A_0] : memref<1024x1024xf32, #tpu.memory_space<vmem>>, vector<1024x1024xf32>
    %convert_element_type3A = arith.truncf %get3A_1 : vector<1024x1024xf32> to vector<1024x1024xbf16>
    %get3A_2 = arith.constant 0 : index
    %get3A_3 = arith.constant 0 : index
    %get3A_4 = vector.load %arg3[%get3A_2, %get3A_3] : memref<1024x1024xf32, #tpu.memory_space<vmem>>, vector<1024x1024xf32>
    %convert_element_type3A_5 = arith.truncf %get3A_4 : vector<1024x1024xf32> to vector<1024x1024xbf16>
    %get3A_6 = arith.constant 0 : index
    %get3A_7 = arith.constant 0 : index
    %get3A_8 = vector.load %arg1[%get3A_6, %get3A_7] : memref<2048x1024xf32, #tpu.memory_space<vmem>>, vector<1024x1024xf32>
    %convert_element_type3A_9 = arith.truncf %get3A_8 : vector<1024x1024xf32> to vector<1024x1024xbf16>
    %dot_general3A = arith.constant dense<0.000000e+00> : vector<1024x1024xf32>
    %dot_general3A_10 = tpu.matmul %convert_element_type3A, %convert_element_type3A_9, %dot_general3A {dimension_numbers = #tpu.dot_dimension_numbers<[1], [0], [0], [1], [0, 0, 1, 1], [], []>, transpose_lhs_hint = false} : vector<1024x1024xbf16>, vector<1024x1024xbf16>, vector<1024x1024xf32> -> vector<1024x1024xf32>
    %swap3A = arith.constant 0 : index
    %swap3A_11 = arith.constant 0 : index
    %swap3A_12 = vector.load %arg5[%swap3A, %swap3A_11] : memref<1024x1024xf32, #tpu.memory_space<vmem>>, vector<1024x1024xf32>
    tpu.vector_store %arg5[%swap3A, %swap3A_11], %dot_general3A_10 {strides = array<i32>} : memref<1024x1024xf32, #tpu.memory_space<vmem>>, vector<1024x1024xf32>,
    %get3A_13 = arith.constant 1024 : index
    %get3A_14 = arith.constant 0 : index
    %get3A_15 = vector.load %arg1[%get3A_13, %get3A_14] : memref<2048x1024xf32, #tpu.memory_space<vmem>>, vector<1024x1024xf32>
    %convert_element_type3A_16 = arith.truncf %get3A_15 : vector<1024x1024xf32> to vector<1024x1024xbf16>
    %dot_general3A_17 = arith.constant dense<0.000000e+00> : vector<1024x1024xf32>
    %dot_general3A_18 = tpu.matmul %convert_element_type3A, %convert_element_type3A_16, %dot_general3A_17 {dimension_numbers = #tpu.dot_dimension_numbers<[1], [0], [0], [1], [0, 0, 1, 1], [], []>, transpose_lhs_hint = false} : vector<1024x1024xbf16>, vector<1024x1024xbf16>, vector<1024x1024xf32> -> vector<1024x1024xf32>
    %swap3A_19 = arith.constant 0 : index
    %swap3A_20 = arith.constant 0 : index
    %swap3A_21 = vector.load %arg6[%swap3A_19, %swap3A_20] : memref<1024x1024xf32, #tpu.memory_space<vmem>>, vector<1024x1024xf32>
    tpu.vector_store %arg6[%swap3A_19, %swap3A_20], %dot_general3A_18 {strides = array<i32>} : memref<1024x1024xf32, #tpu.memory_space<vmem>>, vector<1024x1024xf32>,
    %get3A_22 = arith.constant 0 : index
    %get3A_23 = arith.constant 0 : index
    %get3A_24 = vector.load %arg2[%get3A_22, %get3A_23] : memref<1024x1024xf32, #tpu.memory_space<vmem>>, vector<1024x1024xf32>
    %convert_element_type3A_25 = arith.truncf %get3A_24 : vector<1024x1024xf32> to vector<1024x1024xbf16>
    %dot_general3A_26 = arith.constant dense<0.000000e+00> : vector<1024x1024xf32>
    %dot_general3A_27 = tpu.matmul %convert_element_type3A_25, %convert_element_type3A_5, %dot_general3A_26 {dimension_numbers = #tpu.dot_dimension_numbers<[1], [0], [0], [1], [0, 0, 1, 1], [], []>, transpose_lhs_hint = false} : vector<1024x1024xbf16>, vector<1024x1024xbf16>, vector<1024x1024xf32> -> vector<1024x1024xf32>
    %swap3A_28 = arith.constant 0 : index
    %swap3A_29 = arith.constant 0 : index
    %swap3A_30 = vector.load %arg7[%swap3A_28, %swap3A_29] : memref<1024x1024xf32, #tpu.memory_space<vmem>>, vector<1024x1024xf32>
    tpu.vector_store %arg7[%swap3A_28, %swap3A_29], %dot_general3A_27 {strides = array<i32>} : memref<1024x1024xf32, #tpu.memory_space<vmem>>, vector<1024x1024xf32>,
    %get3A_31 = arith.constant 0 : index
    %get3A_32 = arith.constant 0 : index
    %get3A_33 = vector.load %arg4[%get3A_31, %get3A_32] : memref<1x1024xf32, #tpu.memory_space<vmem>>, vector<1x1024xf32>
    %convert_element_type3A_34 = arith.truncf %get3A_33 : vector<1x1024xf32> to vector<1x1024xbf16>
    %dot_general3A_35 = arith.constant dense<0.000000e+00> : vector<1x1024xf32>
    %dot_general3A_36 = tpu.matmul %convert_element_type3A_34, %convert_element_type3A_5, %dot_general3A_35 {dimension_numbers = #tpu.dot_dimension_numbers<[1], [0], [0], [1], [0, 0, 1, 1], [], []>, transpose_lhs_hint = false} : vector<1x1024xbf16>, vector<1024x1024xbf16>, vector<1x1024xf32> -> vector<1x1024xf32>
    %swap3A_37 = arith.constant 0 : index
    %swap3A_38 = arith.constant 0 : index
    %swap3A_39 = vector.load %arg8[%swap3A_37, %swap3A_38] : memref<1x1024xf32, #tpu.memory_space<vmem>>, vector<1x1024xf32>
    tpu.vector_store %arg8[%swap3A_37, %swap3A_38], %dot_general3A_36 {strides = array<i32>} : memref<1x1024xf32, #tpu.memory_space<vmem>>, vector<1x1024xf32>,
    return
  }
}

module attributes {stable_mosaic.version = 14 : i64} {
  func.func @_ptr_body(%arg0: i32, %arg1: memref<1024x1024xf32, #tpu.memory_space<vmem>>, %arg2: memref<1024x512xf32, #tpu.memory_space<vmem>>, %arg3: memref<1x512xf32, #tpu.memory_space<vmem>>, %arg4: memref<512x1xf32, #tpu.memory_space<vmem>>, %arg5: memref<1x1xf32, #tpu.memory_space<vmem>>, %arg6: memref<1024x1xi32, #tpu.memory_space<vmem>>, %arg7: memref<1024x1xi32, #tpu.memory_space<vmem>>, %arg8: memref<1024x1xi32, #tpu.memory_space<vmem>>, %arg9: memref<1024x512xi32, #tpu.memory_space<vmem>>) attributes {dimension_semantics = [#tpu.dimension_semantics<arbitrary>], iteration_bounds = array<i64: 8>, scalar_prefetch = 0 : i64, scratch_operands = 0 : i64, tpu.core_type = #tpu.core_type<tc>, window_params = [{transform_indices = @transform_0, window_bounds = array<i64: 1024, 1024>}, {pipeline_mode = #tpu.pipeline_mode<synchronous>, transform_indices = @transform_1, window_bounds = array<i64: 1024, 512>}, {pipeline_mode = #tpu.pipeline_mode<synchronous>, transform_indices = @transform_2, window_bounds = array<i64: 1, 512>}, {pipeline_mode = #tpu.pipeline_mode<synchronous>, transform_indices = @transform_3, window_bounds = array<i64: 512, 1>}, {pipeline_mode = #tpu.pipeline_mode<synchronous>, transform_indices = @transform_4, window_bounds = array<i64: 1, 1>}, {transform_indices = @transform_5, window_bounds = array<i64: 1024, 1>}, {transform_indices = @transform_6, window_bounds = array<i64: 1024, 1>}, {transform_indices = @transform_7, window_bounds = array<i64: 1024, 1>}, {transform_indices = @transform_8, window_bounds = array<i64: 1024, 512>}]} {
    %jit3A = arith.constant 4 : i32
    %div3A = arith.divsi %arg0, %jit3A : i32
    %sign3A = arith.constant 0 : i32
    %sign3A_0 = arith.cmpi sgt, %arg0, %sign3A : i32
    %sign3A_1 = arith.extui %sign3A_0 : i1 to i32
    %sign3A_2 = arith.constant 0 : i32
    %sign3A_3 = arith.cmpi slt, %arg0, %sign3A_2 : i32
    %sign3A_4 = arith.extui %sign3A_3 : i1 to i32
    %sign3A_5 = arith.subi %sign3A_1, %sign3A_4 : i32
    %sign3A_6 = arith.constant 0 : i32
    %sign3A_7 = arith.cmpi sgt, %jit3A, %sign3A_6 : i32
    %sign3A_8 = arith.extui %sign3A_7 : i1 to i32
    %sign3A_9 = arith.constant 0 : i32
    %sign3A_10 = arith.cmpi slt, %jit3A, %sign3A_9 : i32
    %sign3A_11 = arith.extui %sign3A_10 : i1 to i32
    %sign3A_12 = arith.subi %sign3A_8, %sign3A_11 : i32
    %ne3A = arith.cmpi ne, %sign3A_5, %sign3A_12 : i32
    %rem3A = arith.remsi %arg0, %jit3A : i32
    %ne3A_13 = arith.constant 0 : i32
    %ne3A_14 = arith.cmpi ne, %rem3A, %ne3A_13 : i32
    %and3A = arith.andi %ne3A, %ne3A_14 : i1
    %sub3A = arith.constant 1 : i32
    %sub3A_15 = arith.subi %div3A, %sub3A : i32
    %select_n3A = arith.select %and3A, %sub3A_15, %div3A : i32
    %mul3A = arith.constant 4096 : i32
    %mul3A_16 = arith.muli %select_n3A, %mul3A : i32
    %get3A = arith.constant 0 : index
    %get3A_17 = arith.constant 0 : index
    %get3A_18 = vector.load %arg1[%get3A, %get3A_17] : memref<1024x1024xf32, #tpu.memory_space<vmem>>, vector<1024x1024xf32>
    %get3A_19 = arith.constant 0 : index
    %get3A_20 = arith.constant 0 : index
    %get3A_21 = vector.load %arg2[%get3A_19, %get3A_20] : memref<1024x512xf32, #tpu.memory_space<vmem>>, vector<1024x512xf32>
    %convert_element_type3A = arith.truncf %get3A_21 : vector<1024x512xf32> to vector<1024x512xbf16>
    %get3A_22 = arith.constant 0 : index
    %get3A_23 = arith.constant 0 : index
    %get3A_24 = vector.load %arg3[%get3A_22, %get3A_23] : memref<1x512xf32, #tpu.memory_space<vmem>>, vector<1x512xf32>
    %get3A_25 = arith.constant 0 : index
    %get3A_26 = arith.constant 0 : index
    %get3A_27 = vector.load %arg4[%get3A_25, %get3A_26] : memref<512x1xf32, #tpu.memory_space<vmem>>, vector<512x1xf32>
    %convert_element_type3A_28 = arith.truncf %get3A_27 : vector<512x1xf32> to vector<512x1xbf16>
    %get3A_29 = arith.constant 0 : index
    %get3A_30 = arith.constant 0 : index
    %get3A_31 = vector.load %arg5[%get3A_29, %get3A_30] : memref<1x1xf32, #tpu.memory_space<vmem>>, vector<1x1xf32>
    %get3A_32 = vector.extract %get3A_31[0, 0] : f32 from vector<1x1xf32>
    %bitcast_convert_type3A = tpu.bitcast %get3A_18 : vector<1024x1024xf32> -> vector<1024x1024xi32>
    %add3A = arith.constant 32767 : i32
    %add3A_33 = vector.broadcast %add3A : i32 to vector<1024x1024xi32>
    %add3A_34 = arith.addi %bitcast_convert_type3A, %add3A_33 : vector<1024x1024xi32>
    %shift_right_logical3A = arith.constant 16 : i32
    %shift_right_logical3A_35 = vector.broadcast %shift_right_logical3A : i32 to vector<1024x1024xi32>
    %shift_right_logical3A_36 = arith.shrui %bitcast_convert_type3A, %shift_right_logical3A_35 : vector<1024x1024xi32>
    %and3A_37 = arith.constant 1 : i32
    %and3A_38 = vector.broadcast %and3A_37 : i32 to vector<1024x1024xi32>
    %and3A_39 = arith.andi %shift_right_logical3A_36, %and3A_38 : vector<1024x1024xi32>
    %add3A_40 = arith.addi %add3A_34, %and3A_39 : vector<1024x1024xi32>
    %slice3A = vector.extract_strided_slice %add3A_40 {offsets = [0, 0], sizes = [1024, 512], strides = [1, 1]} : vector<1024x1024xi32> to vector<1024x512xi32>
    %shift_right_logical3A_41 = arith.constant 16 : i32
    %shift_right_logical3A_42 = vector.broadcast %shift_right_logical3A_41 : i32 to vector<1024x512xi32>
    %shift_right_logical3A_43 = arith.shrui %slice3A, %shift_right_logical3A_42 : vector<1024x512xi32>
    %slice3A_44 = vector.extract_strided_slice %add3A_40 {offsets = [0, 512], sizes = [1024, 512], strides = [1, 1]} : vector<1024x1024xi32> to vector<1024x512xi32>
    %and3A_45 = arith.constant -65536 : i32
    %and3A_46 = vector.broadcast %and3A_45 : i32 to vector<1024x512xi32>
    %and3A_47 = arith.andi %slice3A_44, %and3A_46 : vector<1024x512xi32>
    %or3A = arith.ori %shift_right_logical3A_43, %and3A_47 : vector<1024x512xi32>
    %swap3A = arith.constant 0 : index
    %swap3A_48 = arith.constant 0 : index
    %swap3A_49 = vector.load %arg9[%swap3A, %swap3A_48] : memref<1024x512xi32, #tpu.memory_space<vmem>>, vector<1024x512xi32>
    tpu.vector_store %arg9[%swap3A, %swap3A_48], %or3A {strides = array<i32>} : memref<1024x512xi32, #tpu.memory_space<vmem>>, vector<1024x512xi32>,
    %convert_element_type3A_50 = arith.truncf %get3A_18 : vector<1024x1024xf32> to vector<1024x1024xbf16>
    %dot_general3A = arith.constant dense<0.000000e+00> : vector<1024x512xf32>
    %dot_general3A_51 = tpu.matmul %convert_element_type3A_50, %convert_element_type3A, %dot_general3A {dimension_numbers = #tpu.dot_dimension_numbers<[1], [0], [0], [1], [0, 0, 1, 1], [], []>, transpose_lhs_hint = false} : vector<1024x1024xbf16>, vector<1024x512xbf16>, vector<1024x512xf32> -> vector<1024x512xf32>
    %add3A_52 = vector.broadcast %get3A_24 : vector<1x512xf32> to vector<1024x512xf32>
    %add3A_53 = arith.addf %dot_general3A_51, %add3A_52 : vector<1024x512xf32>
    %mul3A_54 = arith.constant 5.000000e-01 : f32
    %mul3A_55 = vector.broadcast %mul3A_54 : f32 to vector<1024x512xf32>
    %mul3A_56 = arith.mulf %mul3A_55, %add3A_53 : vector<1024x512xf32>
    %mul3A_57 = arith.constant 0.707106769 : f32
    %mul3A_58 = vector.broadcast %mul3A_57 : f32 to vector<1024x512xf32>
    %mul3A_59 = arith.mulf %add3A_53, %mul3A_58 : vector<1024x512xf32>
    %erf3A = math.erf %mul3A_59 : vector<1024x512xf32>
    %add3A_60 = arith.constant 1.000000e+00 : f32
    %add3A_61 = vector.broadcast %add3A_60 : f32 to vector<1024x512xf32>
    %add3A_62 = arith.addf %add3A_61, %erf3A : vector<1024x512xf32>
    %mul3A_63 = arith.mulf %mul3A_56, %add3A_62 : vector<1024x512xf32>
    %convert_element_type3A_64 = arith.truncf %mul3A_63 : vector<1024x512xf32> to vector<1024x512xbf16>
    %dot_general3A_65 = arith.constant dense<0.000000e+00> : vector<1024x1xf32>
    %dot_general3A_66 = tpu.matmul %convert_element_type3A_64, %convert_element_type3A_28, %dot_general3A_65 {dimension_numbers = #tpu.dot_dimension_numbers<[1], [0], [0], [1], [0, 0, 1, 1], [], []>, transpose_lhs_hint = false} : vector<1024x512xbf16>, vector<512x1xbf16>, vector<1024x1xf32> -> vector<1024x1xf32>
    %add3A_67 = vector.broadcast %get3A_32 : f32 to vector<1024x1xf32>
    %add3A_68 = arith.addf %dot_general3A_66, %add3A_67 : vector<1024x1xf32>
    %logistic3A = arith.negf %add3A_68 : vector<1024x1xf32>
    %logistic3A_69 = math.exp %logistic3A : vector<1024x1xf32>
    %logistic3A_70 = arith.constant 1.000000e+00 : f32
    %logistic3A_71 = vector.broadcast %logistic3A_70 : f32 to vector<1024x1xf32>
    %logistic3A_72 = arith.addf %logistic3A_71, %logistic3A_69 : vector<1024x1xf32>
    %logistic3A_73 = arith.divf %logistic3A_71, %logistic3A_72 : vector<1024x1xf32>
    %mul3A_74 = arith.constant 4.095000e+03 : f32
    %mul3A_75 = vector.broadcast %mul3A_74 : f32 to vector<1024x1xf32>
    %mul3A_76 = arith.mulf %logistic3A_73, %mul3A_75 : vector<1024x1xf32>
    %round3A = math.roundeven %mul3A_76 : vector<1024x1xf32>
    %convert_element_type3A_77 = arith.fptosi %round3A : vector<1024x1xf32> to vector<1024x1xi32>
    %jit3A_78 = arith.constant 0 : i32
    %jit3A_79 = arith.constant 4095 : i32
    %max3A = vector.broadcast %jit3A_78 : i32 to vector<1024x1xi32>
    %max3A_80 = arith.maxsi %max3A, %convert_element_type3A_77 : vector<1024x1xi32>
    %min3A = vector.broadcast %jit3A_79 : i32 to vector<1024x1xi32>
    %min3A_81 = arith.minsi %min3A, %max3A_80 : vector<1024x1xi32>
    %div3A_82 = arith.constant 3.000000e-01 : f32
    %div3A_83 = vector.broadcast %div3A_82 : f32 to vector<1024x1xf32>
    %div3A_84 = arith.divf %logistic3A_73, %div3A_83 : vector<1024x1xf32>
    %round3A_85 = math.roundeven %div3A_84 : vector<1024x1xf32>
    %convert_element_type3A_86 = arith.fptosi %round3A_85 : vector<1024x1xf32> to vector<1024x1xi32>
    %jit3A_87 = arith.constant 1 : i32
    %jit3A_88 = arith.constant 3 : i32
    %max3A_89 = vector.broadcast %jit3A_87 : i32 to vector<1024x1xi32>
    %max3A_90 = arith.maxsi %max3A_89, %convert_element_type3A_86 : vector<1024x1xi32>
    %min3A_91 = vector.broadcast %jit3A_88 : i32 to vector<1024x1xi32>
    %min3A_92 = arith.minsi %min3A_91, %max3A_90 : vector<1024x1xi32>
    %add3A_93 = vector.broadcast %mul3A_16 : i32 to vector<1024x1xi32>
    %add3A_94 = arith.addi %min3A_81, %add3A_93 : vector<1024x1xi32>
    %swap3A_95 = arith.constant 0 : index
    %swap3A_96 = arith.constant 0 : index
    %swap3A_97 = vector.load %arg6[%swap3A_95, %swap3A_96] : memref<1024x1xi32, #tpu.memory_space<vmem>>, vector<1024x1xi32>
    tpu.vector_store %arg6[%swap3A_95, %swap3A_96], %add3A_94 {strides = array<i32>} : memref<1024x1xi32, #tpu.memory_space<vmem>>, vector<1024x1xi32>,
    %add3A_98 = arith.constant 1.000000e-01 : f32
    %add3A_99 = vector.broadcast %add3A_98 : f32 to vector<1024x1024xf32>
    %add3A_100 = arith.addf %get3A_18, %add3A_99 : vector<1024x1024xf32>
    %convert_element_type3A_101 = arith.truncf %add3A_100 : vector<1024x1024xf32> to vector<1024x1024xbf16>
    %dot_general3A_102 = arith.constant dense<0.000000e+00> : vector<1024x512xf32>
    %dot_general3A_103 = tpu.matmul %convert_element_type3A_101, %convert_element_type3A, %dot_general3A_102 {dimension_numbers = #tpu.dot_dimension_numbers<[1], [0], [0], [1], [0, 0, 1, 1], [], []>, transpose_lhs_hint = false} : vector<1024x1024xbf16>, vector<1024x512xbf16>, vector<1024x512xf32> -> vector<1024x512xf32>
    %add3A_104 = vector.broadcast %get3A_24 : vector<1x512xf32> to vector<1024x512xf32>
    %add3A_105 = arith.addf %dot_general3A_103, %add3A_104 : vector<1024x512xf32>
    %mul3A_106 = arith.constant 5.000000e-01 : f32
    %mul3A_107 = vector.broadcast %mul3A_106 : f32 to vector<1024x512xf32>
    %mul3A_108 = arith.mulf %mul3A_107, %add3A_105 : vector<1024x512xf32>
    %mul3A_109 = arith.constant 0.707106769 : f32
    %mul3A_110 = vector.broadcast %mul3A_109 : f32 to vector<1024x512xf32>
    %mul3A_111 = arith.mulf %add3A_105, %mul3A_110 : vector<1024x512xf32>
    %erf3A_112 = math.erf %mul3A_111 : vector<1024x512xf32>
    %add3A_113 = arith.constant 1.000000e+00 : f32
    %add3A_114 = vector.broadcast %add3A_113 : f32 to vector<1024x512xf32>
    %add3A_115 = arith.addf %add3A_114, %erf3A_112 : vector<1024x512xf32>
    %mul3A_116 = arith.mulf %mul3A_108, %add3A_115 : vector<1024x512xf32>
    %convert_element_type3A_117 = arith.truncf %mul3A_116 : vector<1024x512xf32> to vector<1024x512xbf16>
    %dot_general3A_118 = arith.constant dense<0.000000e+00> : vector<1024x1xf32>
    %dot_general3A_119 = tpu.matmul %convert_element_type3A_117, %convert_element_type3A_28, %dot_general3A_118 {dimension_numbers = #tpu.dot_dimension_numbers<[1], [0], [0], [1], [0, 0, 1, 1], [], []>, transpose_lhs_hint = false} : vector<1024x512xbf16>, vector<512x1xbf16>, vector<1024x1xf32> -> vector<1024x1xf32>
    %add3A_120 = vector.broadcast %get3A_32 : f32 to vector<1024x1xf32>
    %add3A_121 = arith.addf %dot_general3A_119, %add3A_120 : vector<1024x1xf32>
    %logistic3A_122 = arith.negf %add3A_121 : vector<1024x1xf32>
    %logistic3A_123 = math.exp %logistic3A_122 : vector<1024x1xf32>
    %logistic3A_124 = arith.constant 1.000000e+00 : f32
    %logistic3A_125 = vector.broadcast %logistic3A_124 : f32 to vector<1024x1xf32>
    %logistic3A_126 = arith.addf %logistic3A_125, %logistic3A_123 : vector<1024x1xf32>
    %logistic3A_127 = arith.divf %logistic3A_125, %logistic3A_126 : vector<1024x1xf32>
    %mul3A_128 = arith.constant 4.095000e+03 : f32
    %mul3A_129 = vector.broadcast %mul3A_128 : f32 to vector<1024x1xf32>
    %mul3A_130 = arith.mulf %logistic3A_127, %mul3A_129 : vector<1024x1xf32>
    %round3A_131 = math.roundeven %mul3A_130 : vector<1024x1xf32>
    %convert_element_type3A_132 = arith.fptosi %round3A_131 : vector<1024x1xf32> to vector<1024x1xi32>
    %jit3A_133 = arith.constant 0 : i32
    %jit3A_134 = arith.constant 4095 : i32
    %max3A_135 = vector.broadcast %jit3A_133 : i32 to vector<1024x1xi32>
    %max3A_136 = arith.maxsi %max3A_135, %convert_element_type3A_132 : vector<1024x1xi32>
    %min3A_137 = vector.broadcast %jit3A_134 : i32 to vector<1024x1xi32>
    %min3A_138 = arith.minsi %min3A_137, %max3A_136 : vector<1024x1xi32>
    %gt3A = arith.constant 1 : i32
    %gt3A_139 = vector.broadcast %gt3A : i32 to vector<1024x1xi32>
    %gt3A_140 = arith.cmpi sgt, %min3A_92, %gt3A_139 : vector<1024x1xi32>
    %jit3A_141 = arith.constant 0 : i32
    %broadcast_in_dim3A = vector.broadcast %jit3A_141 : i32 to vector<1024x1xi32>
    %select_n3A_142 = arith.select %gt3A_140, %min3A_138, %broadcast_in_dim3A : vector<1024x1xi1>, vector<1024x1xi32>
    %add3A_143 = vector.broadcast %mul3A_16 : i32 to vector<1024x1xi32>
    %add3A_144 = arith.addi %select_n3A_142, %add3A_143 : vector<1024x1xi32>
    %swap3A_145 = arith.constant 0 : index
    %swap3A_146 = arith.constant 0 : index
    %swap3A_147 = vector.load %arg7[%swap3A_145, %swap3A_146] : memref<1024x1xi32, #tpu.memory_space<vmem>>, vector<1024x1xi32>
    tpu.vector_store %arg7[%swap3A_145, %swap3A_146], %add3A_144 {strides = array<i32>} : memref<1024x1xi32, #tpu.memory_space<vmem>>, vector<1024x1xi32>,
    %add3A_148 = arith.constant 2.000000e-01 : f32
    %add3A_149 = vector.broadcast %add3A_148 : f32 to vector<1024x1024xf32>
    %add3A_150 = arith.addf %get3A_18, %add3A_149 : vector<1024x1024xf32>
    %convert_element_type3A_151 = arith.truncf %add3A_150 : vector<1024x1024xf32> to vector<1024x1024xbf16>
    %dot_general3A_152 = arith.constant dense<0.000000e+00> : vector<1024x512xf32>
    %dot_general3A_153 = tpu.matmul %convert_element_type3A_151, %convert_element_type3A, %dot_general3A_152 {dimension_numbers = #tpu.dot_dimension_numbers<[1], [0], [0], [1], [0, 0, 1, 1], [], []>, transpose_lhs_hint = false} : vector<1024x1024xbf16>, vector<1024x512xbf16>, vector<1024x512xf32> -> vector<1024x512xf32>
    %add3A_154 = vector.broadcast %get3A_24 : vector<1x512xf32> to vector<1024x512xf32>
    %add3A_155 = arith.addf %dot_general3A_153, %add3A_154 : vector<1024x512xf32>
    %mul3A_156 = arith.constant 5.000000e-01 : f32
    %mul3A_157 = vector.broadcast %mul3A_156 : f32 to vector<1024x512xf32>
    %mul3A_158 = arith.mulf %mul3A_157, %add3A_155 : vector<1024x512xf32>
    %mul3A_159 = arith.constant 0.707106769 : f32
    %mul3A_160 = vector.broadcast %mul3A_159 : f32 to vector<1024x512xf32>
    %mul3A_161 = arith.mulf %add3A_155, %mul3A_160 : vector<1024x512xf32>
    %erf3A_162 = math.erf %mul3A_161 : vector<1024x512xf32>
    %add3A_163 = arith.constant 1.000000e+00 : f32
    %add3A_164 = vector.broadcast %add3A_163 : f32 to vector<1024x512xf32>
    %add3A_165 = arith.addf %add3A_164, %erf3A_162 : vector<1024x512xf32>
    %mul3A_166 = arith.mulf %mul3A_158, %add3A_165 : vector<1024x512xf32>
    %convert_element_type3A_167 = arith.truncf %mul3A_166 : vector<1024x512xf32> to vector<1024x512xbf16>
    %dot_general3A_168 = arith.constant dense<0.000000e+00> : vector<1024x1xf32>
    %dot_general3A_169 = tpu.matmul %convert_element_type3A_167, %convert_element_type3A_28, %dot_general3A_168 {dimension_numbers = #tpu.dot_dimension_numbers<[1], [0], [0], [1], [0, 0, 1, 1], [], []>, transpose_lhs_hint = false} : vector<1024x512xbf16>, vector<512x1xbf16>, vector<1024x1xf32> -> vector<1024x1xf32>
    %add3A_170 = vector.broadcast %get3A_32 : f32 to vector<1024x1xf32>
    %add3A_171 = arith.addf %dot_general3A_169, %add3A_170 : vector<1024x1xf32>
    %logistic3A_172 = arith.negf %add3A_171 : vector<1024x1xf32>
    %logistic3A_173 = math.exp %logistic3A_172 : vector<1024x1xf32>
    %logistic3A_174 = arith.constant 1.000000e+00 : f32
    %logistic3A_175 = vector.broadcast %logistic3A_174 : f32 to vector<1024x1xf32>
    %logistic3A_176 = arith.addf %logistic3A_175, %logistic3A_173 : vector<1024x1xf32>
    %logistic3A_177 = arith.divf %logistic3A_175, %logistic3A_176 : vector<1024x1xf32>
    %mul3A_178 = arith.constant 4.095000e+03 : f32
    %mul3A_179 = vector.broadcast %mul3A_178 : f32 to vector<1024x1xf32>
    %mul3A_180 = arith.mulf %logistic3A_177, %mul3A_179 : vector<1024x1xf32>
    %round3A_181 = math.roundeven %mul3A_180 : vector<1024x1xf32>
    %convert_element_type3A_182 = arith.fptosi %round3A_181 : vector<1024x1xf32> to vector<1024x1xi32>
    %jit3A_183 = arith.constant 0 : i32
    %jit3A_184 = arith.constant 4095 : i32
    %max3A_185 = vector.broadcast %jit3A_183 : i32 to vector<1024x1xi32>
    %max3A_186 = arith.maxsi %max3A_185, %convert_element_type3A_182 : vector<1024x1xi32>
    %min3A_187 = vector.broadcast %jit3A_184 : i32 to vector<1024x1xi32>
    %min3A_188 = arith.minsi %min3A_187, %max3A_186 : vector<1024x1xi32>
    %gt3A_189 = arith.constant 2 : i32
    %gt3A_190 = vector.broadcast %gt3A_189 : i32 to vector<1024x1xi32>
    %gt3A_191 = arith.cmpi sgt, %min3A_92, %gt3A_190 : vector<1024x1xi32>
    %jit3A_192 = arith.constant 0 : i32
    %broadcast_in_dim3A_193 = vector.broadcast %jit3A_192 : i32 to vector<1024x1xi32>
    %select_n3A_194 = arith.select %gt3A_191, %min3A_188, %broadcast_in_dim3A_193 : vector<1024x1xi1>, vector<1024x1xi32>
    %add3A_195 = vector.broadcast %mul3A_16 : i32 to vector<1024x1xi32>
    %add3A_196 = arith.addi %select_n3A_194, %add3A_195 : vector<1024x1xi32>
    %swap3A_197 = arith.constant 0 : index
    %swap3A_198 = arith.constant 0 : index
    %swap3A_199 = vector.load %arg8[%swap3A_197, %swap3A_198] : memref<1024x1xi32, #tpu.memory_space<vmem>>, vector<1024x1xi32>
    tpu.vector_store %arg8[%swap3A_197, %swap3A_198], %add3A_196 {strides = array<i32>} : memref<1024x1xi32, #tpu.memory_space<vmem>>, vector<1024x1xi32>,
    return
  }
  func.func @transform_0(%arg0: i32) -> (i32, i32) {
    %c0_i32 = arith.constant 0 : i32
    %c0_i32_0 = arith.constant 0 : i32
    return %arg0, %c0_i32 : i32, i32
  }
  func.func @transform_1(%arg0: i32) -> (i32, i32) {
    %c0_i32 = arith.constant 0 : i32
    %c0_i32_0 = arith.constant 0 : i32
    %c0_i32_1 = arith.constant 0 : i32
    return %c0_i32, %c0_i32_0 : i32, i32
  }
  func.func @transform_2(%arg0: i32) -> (i32, i32) {
    %c0_i32 = arith.constant 0 : i32
    %c0_i32_0 = arith.constant 0 : i32
    %c0_i32_1 = arith.constant 0 : i32
    return %c0_i32, %c0_i32_0 : i32, i32
  }
  func.func @transform_3(%arg0: i32) -> (i32, i32) {
    %c0_i32 = arith.constant 0 : i32
    %c0_i32_0 = arith.constant 0 : i32
    %c0_i32_1 = arith.constant 0 : i32
    return %c0_i32, %c0_i32_0 : i32, i32
  }
  func.func @transform_4(%arg0: i32) -> (i32, i32) {
    %c0_i32 = arith.constant 0 : i32
    %c0_i32_0 = arith.constant 0 : i32
    %c0_i32_1 = arith.constant 0 : i32
    return %c0_i32, %c0_i32_0 : i32, i32
  }
  func.func @transform_5(%arg0: i32) -> (i32, i32) {
    %c0_i32 = arith.constant 0 : i32
    %c0_i32_0 = arith.constant 0 : i32
    return %arg0, %c0_i32 : i32, i32
  }
  func.func @transform_6(%arg0: i32) -> (i32, i32) {
    %c0_i32 = arith.constant 0 : i32
    %c0_i32_0 = arith.constant 0 : i32
    return %arg0, %c0_i32 : i32, i32
  }
  func.func @transform_7(%arg0: i32) -> (i32, i32) {
    %c0_i32 = arith.constant 0 : i32
    %c0_i32_0 = arith.constant 0 : i32
    return %arg0, %c0_i32 : i32, i32
  }
  func.func @transform_8(%arg0: i32) -> (i32, i32) {
    %c0_i32 = arith.constant 0 : i32
    %c0_i32_0 = arith.constant 0 : i32
    return %arg0, %c0_i32 : i32, i32
  }
}

module attributes {stable_mosaic.version = 14 : i64} {
  func.func @_dense_body(%arg0: i32, %arg1: memref<512x512xi32, #tpu.memory_space<vmem>>, %arg2: memref<512x512xi32, #tpu.memory_space<vmem>>, %arg3: memref<512x512xi32, #tpu.memory_space<vmem>>, %arg4: memref<512x512xi32, #tpu.memory_space<vmem>>, %arg5: memref<1024x1024xf32, #tpu.memory_space<vmem>>, %arg6: memref<1024x1024xf32, #tpu.memory_space<vmem>>, %arg7: memref<1024x1024xf32, #tpu.memory_space<vmem>>, %arg8: memref<1x1024xf32, #tpu.memory_space<vmem>>, %arg9: memref<1x1024xf32, #tpu.memory_space<vmem>>, %arg10: memref<512x1024xf32, #tpu.memory_space<vmem>>) attributes {dimension_semantics = [#tpu.dimension_semantics<arbitrary>], iteration_bounds = array<i64: 16>, scalar_prefetch = 0 : i64, scratch_operands = 0 : i64, tpu.core_type = #tpu.core_type<tc>, window_params = [{transform_indices = @transform_0, window_bounds = array<i64: 512, 512>}, {transform_indices = @transform_1, window_bounds = array<i64: 512, 512>}, {transform_indices = @transform_2, window_bounds = array<i64: 512, 512>}, {transform_indices = @transform_3, window_bounds = array<i64: 512, 512>}, {pipeline_mode = #tpu.pipeline_mode<synchronous>, transform_indices = @transform_4, window_bounds = array<i64: 1024, 1024>}, {pipeline_mode = #tpu.pipeline_mode<synchronous>, transform_indices = @transform_5, window_bounds = array<i64: 1024, 1024>}, {pipeline_mode = #tpu.pipeline_mode<synchronous>, transform_indices = @transform_6, window_bounds = array<i64: 1024, 1024>}, {pipeline_mode = #tpu.pipeline_mode<synchronous>, transform_indices = @transform_7, window_bounds = array<i64: 1, 1024>}, {pipeline_mode = #tpu.pipeline_mode<synchronous>, transform_indices = @transform_8, window_bounds = array<i64: 1, 1024>}, {transform_indices = @transform_9, window_bounds = array<i64: 512, 1024>}]} {
    %get3A = arith.constant 0 : index
    %get3A_0 = arith.constant 0 : index
    %get3A_1 = vector.load %arg1[%get3A, %get3A_0] : memref<512x512xi32, #tpu.memory_space<vmem>>, vector<512x512xi32>
    %get3A_2 = arith.constant 0 : index
    %get3A_3 = arith.constant 0 : index
    %get3A_4 = vector.load %arg2[%get3A_2, %get3A_3] : memref<512x512xi32, #tpu.memory_space<vmem>>, vector<512x512xi32>
    %get3A_5 = arith.constant 0 : index
    %get3A_6 = arith.constant 0 : index
    %get3A_7 = vector.load %arg3[%get3A_5, %get3A_6] : memref<512x512xi32, #tpu.memory_space<vmem>>, vector<512x512xi32>
    %get3A_8 = arith.constant 0 : index
    %get3A_9 = arith.constant 0 : index
    %get3A_10 = vector.load %arg4[%get3A_8, %get3A_9] : memref<512x512xi32, #tpu.memory_space<vmem>>, vector<512x512xi32>
    %shift_left3A = arith.constant 16 : i32
    %shift_left3A_11 = vector.broadcast %shift_left3A : i32 to vector<512x512xi32>
    %shift_left3A_12 = arith.shli %get3A_4, %shift_left3A_11 : vector<512x512xi32>
    %bitcast_convert_type3A = tpu.bitcast %shift_left3A_12 : vector<512x512xi32> -> vector<512x512xf32>
    %shift_left3A_13 = arith.constant 16 : i32
    %shift_left3A_14 = vector.broadcast %shift_left3A_13 : i32 to vector<512x512xi32>
    %shift_left3A_15 = arith.shli %get3A_7, %shift_left3A_14 : vector<512x512xi32>
    %bitcast_convert_type3A_16 = tpu.bitcast %shift_left3A_15 : vector<512x512xi32> -> vector<512x512xf32>
    %add3A = arith.addf %bitcast_convert_type3A, %bitcast_convert_type3A_16 : vector<512x512xf32>
    %shift_left3A_17 = arith.constant 16 : i32
    %shift_left3A_18 = vector.broadcast %shift_left3A_17 : i32 to vector<512x512xi32>
    %shift_left3A_19 = arith.shli %get3A_10, %shift_left3A_18 : vector<512x512xi32>
    %bitcast_convert_type3A_20 = tpu.bitcast %shift_left3A_19 : vector<512x512xi32> -> vector<512x512xf32>
    %add3A_21 = arith.addf %add3A, %bitcast_convert_type3A_20 : vector<512x512xf32>
    %mul3A = arith.constant 0.333333343 : f32
    %mul3A_22 = vector.broadcast %mul3A : f32 to vector<512x512xf32>
    %mul3A_23 = arith.mulf %add3A_21, %mul3A_22 : vector<512x512xf32>
    %convert_element_type3A = arith.truncf %mul3A_23 : vector<512x512xf32> to vector<512x512xbf16>
    %and3A = arith.constant -65536 : i32
    %and3A_24 = vector.broadcast %and3A : i32 to vector<512x512xi32>
    %and3A_25 = arith.andi %get3A_4, %and3A_24 : vector<512x512xi32>
    %bitcast_convert_type3A_26 = tpu.bitcast %and3A_25 : vector<512x512xi32> -> vector<512x512xf32>
    %and3A_27 = arith.constant -65536 : i32
    %and3A_28 = vector.broadcast %and3A_27 : i32 to vector<512x512xi32>
    %and3A_29 = arith.andi %get3A_7, %and3A_28 : vector<512x512xi32>
    %bitcast_convert_type3A_30 = tpu.bitcast %and3A_29 : vector<512x512xi32> -> vector<512x512xf32>
    %add3A_31 = arith.addf %bitcast_convert_type3A_26, %bitcast_convert_type3A_30 : vector<512x512xf32>
    %and3A_32 = arith.constant -65536 : i32
    %and3A_33 = vector.broadcast %and3A_32 : i32 to vector<512x512xi32>
    %and3A_34 = arith.andi %get3A_10, %and3A_33 : vector<512x512xi32>
    %bitcast_convert_type3A_35 = tpu.bitcast %and3A_34 : vector<512x512xi32> -> vector<512x512xf32>
    %add3A_36 = arith.addf %add3A_31, %bitcast_convert_type3A_35 : vector<512x512xf32>
    %mul3A_37 = arith.constant 0.333333343 : f32
    %mul3A_38 = vector.broadcast %mul3A_37 : f32 to vector<512x512xf32>
    %mul3A_39 = arith.mulf %add3A_36, %mul3A_38 : vector<512x512xf32>
    %convert_element_type3A_40 = arith.truncf %mul3A_39 : vector<512x512xf32> to vector<512x512xbf16>
    %shift_left3A_41 = arith.constant 16 : i32
    %shift_left3A_42 = vector.broadcast %shift_left3A_41 : i32 to vector<512x512xi32>
    %shift_left3A_43 = arith.shli %get3A_1, %shift_left3A_42 : vector<512x512xi32>
    %bitcast_convert_type3A_44 = tpu.bitcast %shift_left3A_43 : vector<512x512xi32> -> vector<512x512xf32>
    %convert_element_type3A_45 = arith.truncf %bitcast_convert_type3A_44 : vector<512x512xf32> to vector<512x512xbf16>
    %get3A_46 = arith.constant 0 : index
    %get3A_47 = arith.constant 0 : index
    %get3A_48 = vector.load %arg5[%get3A_46, %get3A_47] : memref<1024x1024xf32, #tpu.memory_space<vmem>>, vector<512x1024xf32>
    %convert_element_type3A_49 = arith.truncf %get3A_48 : vector<512x1024xf32> to vector<512x1024xbf16>
    %dot_general3A = arith.constant dense<0.000000e+00> : vector<512x1024xf32>
    %dot_general3A_50 = tpu.matmul %convert_element_type3A_45, %convert_element_type3A_49, %dot_general3A {dimension_numbers = #tpu.dot_dimension_numbers<[1], [0], [0], [1], [0, 0, 1, 1], [], []>, transpose_lhs_hint = false} : vector<512x512xbf16>, vector<512x1024xbf16>, vector<512x1024xf32> -> vector<512x1024xf32>
    %and3A_51 = arith.constant -65536 : i32
    %and3A_52 = vector.broadcast %and3A_51 : i32 to vector<512x512xi32>
    %and3A_53 = arith.andi %get3A_1, %and3A_52 : vector<512x512xi32>
    %bitcast_convert_type3A_54 = tpu.bitcast %and3A_53 : vector<512x512xi32> -> vector<512x512xf32>
    %convert_element_type3A_55 = arith.truncf %bitcast_convert_type3A_54 : vector<512x512xf32> to vector<512x512xbf16>
    %get3A_56 = arith.constant 512 : index
    %get3A_57 = arith.constant 0 : index
    %get3A_58 = vector.load %arg5[%get3A_56, %get3A_57] : memref<1024x1024xf32, #tpu.memory_space<vmem>>, vector<512x1024xf32>
    %convert_element_type3A_59 = arith.truncf %get3A_58 : vector<512x1024xf32> to vector<512x1024xbf16>
    %dot_general3A_60 = arith.constant dense<0.000000e+00> : vector<512x1024xf32>
    %dot_general3A_61 = tpu.matmul %convert_element_type3A_55, %convert_element_type3A_59, %dot_general3A_60 {dimension_numbers = #tpu.dot_dimension_numbers<[1], [0], [0], [1], [0, 0, 1, 1], [], []>, transpose_lhs_hint = false} : vector<512x512xbf16>, vector<512x1024xbf16>, vector<512x1024xf32> -> vector<512x1024xf32>
    %add3A_62 = arith.addf %dot_general3A_50, %dot_general3A_61 : vector<512x1024xf32>
    %get3A_63 = arith.constant 0 : index
    %get3A_64 = arith.constant 0 : index
    %get3A_65 = vector.load %arg6[%get3A_63, %get3A_64] : memref<1024x1024xf32, #tpu.memory_space<vmem>>, vector<512x1024xf32>
    %convert_element_type3A_66 = arith.truncf %get3A_65 : vector<512x1024xf32> to vector<512x1024xbf16>
    %dot_general3A_67 = arith.constant dense<0.000000e+00> : vector<512x1024xf32>
    %dot_general3A_68 = tpu.matmul %convert_element_type3A, %convert_element_type3A_66, %dot_general3A_67 {dimension_numbers = #tpu.dot_dimension_numbers<[1], [0], [0], [1], [0, 0, 1, 1], [], []>, transpose_lhs_hint = false} : vector<512x512xbf16>, vector<512x1024xbf16>, vector<512x1024xf32> -> vector<512x1024xf32>
    %add3A_69 = arith.addf %add3A_62, %dot_general3A_68 : vector<512x1024xf32>
    %get3A_70 = arith.constant 512 : index
    %get3A_71 = arith.constant 0 : index
    %get3A_72 = vector.load %arg6[%get3A_70, %get3A_71] : memref<1024x1024xf32, #tpu.memory_space<vmem>>, vector<512x1024xf32>
    %convert_element_type3A_73 = arith.truncf %get3A_72 : vector<512x1024xf32> to vector<512x1024xbf16>
    %dot_general3A_74 = arith.constant dense<0.000000e+00> : vector<512x1024xf32>
    %dot_general3A_75 = tpu.matmul %convert_element_type3A_40, %convert_element_type3A_73, %dot_general3A_74 {dimension_numbers = #tpu.dot_dimension_numbers<[1], [0], [0], [1], [0, 0, 1, 1], [], []>, transpose_lhs_hint = false} : vector<512x512xbf16>, vector<512x1024xbf16>, vector<512x1024xf32> -> vector<512x1024xf32>
    %add3A_76 = arith.addf %add3A_69, %dot_general3A_75 : vector<512x1024xf32>
    %get3A_77 = arith.constant 0 : index
    %get3A_78 = arith.constant 0 : index
    %get3A_79 = vector.load %arg8[%get3A_77, %get3A_78] : memref<1x1024xf32, #tpu.memory_space<vmem>>, vector<1x1024xf32>
    %add3A_80 = vector.broadcast %get3A_79 : vector<1x1024xf32> to vector<512x1024xf32>
    %add3A_81 = arith.addf %add3A_76, %add3A_80 : vector<512x1024xf32>
    %mul3A_82 = arith.constant 5.000000e-01 : f32
    %mul3A_83 = vector.broadcast %mul3A_82 : f32 to vector<512x1024xf32>
    %mul3A_84 = arith.mulf %mul3A_83, %add3A_81 : vector<512x1024xf32>
    %mul3A_85 = arith.constant 0.707106769 : f32
    %mul3A_86 = vector.broadcast %mul3A_85 : f32 to vector<512x1024xf32>
    %mul3A_87 = arith.mulf %add3A_81, %mul3A_86 : vector<512x1024xf32>
    %erf3A = math.erf %mul3A_87 : vector<512x1024xf32>
    %add3A_88 = arith.constant 1.000000e+00 : f32
    %add3A_89 = vector.broadcast %add3A_88 : f32 to vector<512x1024xf32>
    %add3A_90 = arith.addf %add3A_89, %erf3A : vector<512x1024xf32>
    %mul3A_91 = arith.mulf %mul3A_84, %add3A_90 : vector<512x1024xf32>
    %convert_element_type3A_92 = arith.truncf %mul3A_91 : vector<512x1024xf32> to vector<512x1024xbf16>
    %get3A_93 = arith.constant 0 : index
    %get3A_94 = arith.constant 0 : index
    %get3A_95 = vector.load %arg7[%get3A_93, %get3A_94] : memref<1024x1024xf32, #tpu.memory_space<vmem>>, vector<1024x1024xf32>
    %convert_element_type3A_96 = arith.truncf %get3A_95 : vector<1024x1024xf32> to vector<1024x1024xbf16>
    %dot_general3A_97 = arith.constant dense<0.000000e+00> : vector<512x1024xf32>
    %dot_general3A_98 = tpu.matmul %convert_element_type3A_92, %convert_element_type3A_96, %dot_general3A_97 {dimension_numbers = #tpu.dot_dimension_numbers<[1], [0], [0], [1], [0, 0, 1, 1], [], []>, transpose_lhs_hint = false} : vector<512x1024xbf16>, vector<1024x1024xbf16>, vector<512x1024xf32> -> vector<512x1024xf32>
    %get3A_99 = arith.constant 0 : index
    %get3A_100 = arith.constant 0 : index
    %get3A_101 = vector.load %arg9[%get3A_99, %get3A_100] : memref<1x1024xf32, #tpu.memory_space<vmem>>, vector<1x1024xf32>
    %add3A_102 = vector.broadcast %get3A_101 : vector<1x1024xf32> to vector<512x1024xf32>
    %add3A_103 = arith.addf %dot_general3A_98, %add3A_102 : vector<512x1024xf32>
    %swap3A = arith.constant 0 : index
    %swap3A_104 = arith.constant 0 : index
    %swap3A_105 = vector.load %arg10[%swap3A, %swap3A_104] : memref<512x1024xf32, #tpu.memory_space<vmem>>, vector<512x1024xf32>
    tpu.vector_store %arg10[%swap3A, %swap3A_104], %add3A_103 {strides = array<i32>} : memref<512x1024xf32, #tpu.memory_space<vmem>>, vector<512x1024xf32>,
    return
  }
  func.func @transform_0(%arg0: i32) -> (i32, i32) {
    %c0_i32 = arith.constant 0 : i32
    %c0_i32_0 = arith.constant 0 : i32
    return %arg0, %c0_i32 : i32, i32
  }
  func.func @transform_1(%arg0: i32) -> (i32, i32) {
    %c0_i32 = arith.constant 0 : i32
    %c0_i32_0 = arith.constant 0 : i32
    return %arg0, %c0_i32 : i32, i32
  }
  func.func @transform_2(%arg0: i32) -> (i32, i32) {
    %c0_i32 = arith.constant 0 : i32
    %c0_i32_0 = arith.constant 0 : i32
    return %arg0, %c0_i32 : i32, i32
  }
  func.func @transform_3(%arg0: i32) -> (i32, i32) {
    %c0_i32 = arith.constant 0 : i32
    %c0_i32_0 = arith.constant 0 : i32
    return %arg0, %c0_i32 : i32, i32
  }
  func.func @transform_4(%arg0: i32) -> (i32, i32) {
    %c0_i32 = arith.constant 0 : i32
    %c0_i32_0 = arith.constant 0 : i32
    %c0_i32_1 = arith.constant 0 : i32
    return %c0_i32, %c0_i32_0 : i32, i32
  }
  func.func @transform_5(%arg0: i32) -> (i32, i32) {
    %c0_i32 = arith.constant 0 : i32
    %c0_i32_0 = arith.constant 0 : i32
    %c0_i32_1 = arith.constant 0 : i32
    return %c0_i32, %c0_i32_0 : i32, i32
  }
  func.func @transform_6(%arg0: i32) -> (i32, i32) {
    %c0_i32 = arith.constant 0 : i32
    %c0_i32_0 = arith.constant 0 : i32
    %c0_i32_1 = arith.constant 0 : i32
    return %c0_i32, %c0_i32_0 : i32, i32
  }
  func.func @transform_7(%arg0: i32) -> (i32, i32) {
    %c0_i32 = arith.constant 0 : i32
    %c0_i32_0 = arith.constant 0 : i32
    %c0_i32_1 = arith.constant 0 : i32
    return %c0_i32, %c0_i32_0 : i32, i32
  }
  func.func @transform_8(%arg0: i32) -> (i32, i32) {
    %c0_i32 = arith.constant 0 : i32
    %c0_i32_0 = arith.constant 0 : i32
    %c0_i32_1 = arith.constant 0 : i32
    return %c0_i32, %c0_i32_0 : i32, i32
  }
  func.func @transform_9(%arg0: i32) -> (i32, i32) {
    %c0_i32 = arith.constant 0 : i32
    %c0_i32_0 = arith.constant 0 : i32
    return %arg0, %c0_i32 : i32, i32
  }
}

</mosaic_0001>

<sc_bundles>
// kernel: kernel.6.cloned.1.call-start
scs
__scs_entry_jumppad:
0x0: {  	(pc) =	sbr.rel $0x88, $3  }
0x1: {  	(tag) =	ssettag $0x0;
	lr =	simm.s32 $0x1  }
0x2: {  	[smem:$0x3F96] =	sst lr;
	_ =	strace $0xD0000000  }
0x3: {  	_ = 	snop  }
0x4: {  	_ = 	snop  }
0x5: {  	_ = 	snop  }
0x6: {  	_ = 	snop  }
0x7: {  	_ = 	snop  }
__scs_overlays_trampoline_lowered:
0x8: {  	[smem:$0x3FA5] =	sst s0  }
0x9: {  	[smem:$0x3FA6] =	sst s1  }
0xa: {  	[smem:$0x3FA7] =	sst s2  }
0xb: {  	[smem:$0x3FA8] =	sst s3  }
0xc: {  	[smem:$0x3FA9] =	sst s4  }
0xd: {  	[smem:$0x3FAA] =	sst s5  }
0xe: {  	[smem:$0x3FAB] =	sst s6  }
0xf: {  	[smem:$0x3FAC] =	sst s7  }
0x10: {  	[smem:$0x3FAD] =	sst s8  }
0x11: {  	[smem:$0x3FAE] =	sst s9;
	s0 =	simm.s32 @!p0 $0x0  }
0x12: {  	s1 =	sld [smem:$0x3F94];
	s0 =	simm.s32 @p0 $0x1  }
0x13: {  	[smem:$0x3FAF] =	sst s0;
	s0 =	simm.s32 @!p1 $0x0  }
0x14: {  	s2 =	sld [smem:$0x3F93];
	s0 =	simm.s32 @p1 $0x1  }
0x15: {  	[smem:$0x3FB0] =	sst s0;
	s0 =	simm.s32 @!p2 $0x0  }
0x16: {  	s3 =	sld [smem:$0x3FDB];
	s0 =	simm.s32 @p2 $0x1  }
0x17: {  	s4 =	simm.s32 $0x1BF5;
	[smem:$0x3FB2] =	sst s0  }
0x18: {  	s0 =	sld [smem:$0x3F95];
	_ =	swait.ge [sflag:s4], $0x0  }
0x19: {  	s7 =	sld [smem:$0x3F96]  }
0x1a: {  	s8 =	sadd.s32 $0xFFFFE003, lr  }
0x1b: {  	s9 =	sadd.s32 $0xFFFFFEF7, lr;
	s5 =	simm.s32 $0xFFFFFFFF;
	p2 =	slt.u32 s8, $0xFFFFF086  }
0x1c: {  	p1 =	slt.u32 s9, $0xF7A;
	s5 =	simm.s32 @!p2 $0x0  }
0x1d: {  	s5 =	simm.s32 @p1 $0x1;
	p0 =	seq.s32 s7, s2  }
0x1e: {  	s7 =	smul.u32 @!p0 $0xF7A, s2;
	p2 =	seq.s32 @!p0 s5, $0x0  }
0x1f: {  	s9 =	smul.u32 $0xF7A, s1;
	s8 =	simm.s32 @!p0 $0x1BF5;
	p2 =	por !p2, p0  }
0x20: {  	[sflag:s8] =	ssyncset.s32 @!p0 $0xFFFFF086;
	s6 =	sadd.s32 @!p0 s3, s7;
	s7 =	simm.s32 @!p0 $0x108  }
0x21: {  	s3 =	sadd.s32 s3, s9;
	s6 =	sadd.s32 @!p0 $0x88, s6;
	s7 =	simm.s32 @p2 $0x1082  }
0x22: {  	[simem:s7], [sflag:s8] =	dma.local @!p0 [hbm:s6], $0xF7A  }
0x23: {  	s9 =	sor.u32 $0xD0000000, s2;
	s6 =	simm.s32 $0x108;
	_ =	swait.ge @!p0 [sflag:s8], $0x0  }
0x24: {  	s3 =	sadd.s32 $0x88, s3;
	s6 =	simm.s32 @!p1 $0x1082;
	[sflag:s4] =	ssyncset.s32 $0xFFFFF086  }
0x25: {  	[simem:s6], [sflag:s4] =	dma.local [hbm:s3], $0xF7A  }
0x26: {  	[smem:$0x3F96] =	sst s1;
	(tag) =	ssettag s2;
	_ =	strace s9  }
0x27: {  	s1 =	sld [smem:$0x3FA6]  }
0x28: {  	s2 =	sld [smem:$0x3FA7]  }
0x29: {  	s4 =	sld [smem:$0x3FA9]  }
0x2a: {  	p0 =	seq.s32 s5, $0x0;
	s5 =	sld [smem:$0x3FAA]  }
0x2b: {  	s6 =	sld [smem:$0x3FAB]  }
0x2c: {  	s7 =	sld [smem:$0x3FAC]  }
0x2d: {  	s3 =	simm.s32 $0x108;
	s8 =	sld [smem:$0x3FAD]  }
0x2e: {  	s3 =	simm.s32 @!p0 $0x1082;
	s9 =	sld [smem:$0x3FAE]  }
0x2f: {  	lr =	sadd.s32 s0, s3;
	s0 =	sld [smem:$0x3FA5]  }
0x30: {  	s3 =	sld [smem:$0x3FA8]  }
0x31: {  	[smem:$0x3FB1] =	sst s10  }
0x32: {  	s10 =	sld [smem:$0x3FAF];
	_ =	sdelay $0x3  }
0x33: {  	p0 =	seq.s32 s10, $0x1;
	s10 =	sld [smem:$0x3FB1];
	_ =	sdelay $0x3  }
0x34: {  	[smem:$0x3FB1] =	sst s10  }
0x35: {  	s10 =	sld [smem:$0x3FB0];
	_ =	sdelay $0x3  }
0x36: {  	p1 =	seq.s32 s10, $0x1;
	s10 =	sld [smem:$0x3FB1];
	_ =	sdelay $0x3  }
0x37: {  	[smem:$0x3FB1] =	sst s10  }
0x38: {  	s10 =	sld [smem:$0x3FB2]  }
0x39: {  	_ = 	snop;
	(pc) =	sbr.ind lr, $3  }
0x3a: {  	_ = 	snop  }
0x3b: {  	_ = 	snop  }
0x3c: {  	p2 =	seq.s32 s10, $0x1;
	s10 =	sld [smem:$0x3FB1]  }
0x3d: {  	_ =	shalt  }
0x3e: {  	_ =	shalt  }
0x3f: {  	_ =	shalt  }
0x40: {  	_ =	shalt  }
0x41: {  	_ =	shalt  }
0x42: {  	_ =	shalt  }
0x43: {  	_ =	shalt  }
0x44: {  	_ =	shalt  }
0x45: {  	_ =	shalt  }
0x46: {  	_ =	shalt  }
0x47: {  	_ =	shalt  }
0x48: {  	_ =	shalt  }
0x49: {  	_ =	shalt  }
0x4a: {  	_ =	shalt  }
0x4b: {  	_ =	shalt  }
0x4c: {  	_ =	shalt  }
0x4d: {  	_ =	shalt  }
0x4e: {  	_ =	shalt  }
0x4f: {  	_ =	shalt  }
0x50: {  	_ =	shalt  }
0x51: {  	_ =	shalt  }
0x52: {  	_ =	shalt  }
0x53: {  	_ =	shalt  }
0x54: {  	_ =	shalt  }
0x55: {  	_ =	shalt  }
0x56: {  	_ =	shalt  }
0x57: {  	_ =	shalt  }
0x58: {  	_ =	shalt  }
0x59: {  	_ =	shalt  }
0x5a: {  	_ =	shalt  }
0x5b: {  	_ =	shalt  }
0x5c: {  	_ =	shalt  }
0x5d: {  	_ =	shalt  }
0x5e: {  	_ =	shalt  }
0x5f: {  	_ =	shalt  }
0x60: {  	_ =	shalt  }
0x61: {  	_ =	shalt  }
0x62: {  	_ =	shalt  }
0x63: {  	_ =	shalt  }
0x64: {  	_ =	shalt  }
0x65: {  	_ =	shalt  }
0x66: {  	_ =	shalt  }
0x67: {  	_ =	shalt  }
0x68: {  	_ =	shalt  }
0x69: {  	_ =	shalt  }
0x6a: {  	_ =	shalt  }
0x6b: {  	_ =	shalt  }
0x6c: {  	_ =	shalt  }
0x6d: {  	_ =	shalt  }
0x6e: {  	_ =	shalt  }
0x6f: {  	_ =	shalt  }
0x70: {  	_ =	shalt  }
0x71: {  	_ =	shalt  }
0x72: {  	_ =	shalt  }
0x73: {  	_ =	shalt  }
0x74: {  	_ =	shalt  }
0x75: {  	_ =	shalt  }
0x76: {  	_ =	shalt  }
0x77: {  	_ =	shalt  }
0x78: {  	_ =	shalt  }
0x79: {  	_ =	shalt  }
0x7a: {  	_ =	shalt  }
0x7b: {  	_ =	shalt  }
0x7c: {  	_ =	shalt  }
0x7d: {  	_ =	shalt  }
0x7e: {  	_ =	shalt  }
0x7f: {  	_ =	shalt  }
0x80: {  	_ =	shalt  }
0x81: {  	_ =	shalt  }
0x82: {  	_ =	shalt  }
0x83: {  	_ =	shalt  }
0x84: {  	_ =	shalt  }
0x85: {  	_ =	shalt  }
0x86: {  	_ =	shalt  }
0x87: {  	_ =	shalt  }
.Lfunc_end0:
.L_simem_size_0:
called_computation_lowered:
.L_overlay_start_0:
0x88: {  	s2 =	sld [smem:$0x3FD9]  }
0x89: {  	s3 =	sld [smem:$0x3FFE];
	_ =	sdelay $0x1  }
0x8a: {  	s1 =	srdreg.scid  }
0x8b: {  	s0 =	sand.u32 $0x1, s1  }
0x8c: {  	s17 =	sshll.u32 s0, $0xA;
	s2 =	sadd.s32 s3, s2  }
0x8d: {  	s2 =	sadd.s32 s2, s17  }
0x8e: {  	[smem:$0x3FBD] =	sst s2  }
0x8f: {  	_ = 	snop  }
0x90: {  	s2 =	sld [smem:$0x3FD0];
	(tm) =	ssettm $0x1  }
0x91: {  	s18 =	sld [smem:$0x3FFB];
	_ =	sdelay $0x3  }
0x92: {  	_ =	strace s18  }
0x93: {  	s3 =	sld [smem:$0x3FFC];
	_ =	sdelay $0x3  }
0x94: {  	_ =	strace s3  }
0x95: {  	s3 =	sld [smem:$0x3FFD];
	_ =	sdelay $0x3  }
0x96: {  	_ =	strace s3  }
0x97: {  	_ =	strace $0x8FFFFFFF  }
0x98: {  	s19 =	sld [smem:$0x3FDB];
	_ =	sdelay $0x1  }
0x99: {  	s4 =	simm.s32 $_scs_section_size  }
0x9a: {  	s5 =	simm.s32 $_size__tile_overlayer_lowered;
	s6 =	simm.s32 $_tile_overlayer_lowered  }
0x9b: {  	s22 =	simm.s32 $0x1BFF;
	s21 =	sshll.u32 s6, $0x1;
	s3 =	sadd.s32 s4, s19  }
0x9c: {  	s7 =	simm.s32 $0x0;
	s20 =	sshll.u32 s5, $0x1;
	s5 =	sadd.s32 s21, s3  }
0x9d: {  	[timem:s7], [sflag:s22] =	dma.local [hbm:s5], s20  }
0x9e: {  	_ =	swait.ge [sflag:s22], s20  }
0x9f: {  	s4 =	ssub.s32 $0x0, s20;
	[sflag:s22] =	ssyncset.done $0x0  }
0xa0: {  	[sflag:s22] =	ssyncadd.s32 s4;
	_ =	sdelay $0x1  }
0xa1: {  	s23 =	simm.s32 $0x1B8B  }
0xa2: {  	_ =	swait.ge [sflag:s23], $0x1  }
0xa3: {  	[sflag:s23] =	ssyncset.done $0x0  }
0xa4: {  	s25 =	simm.s32 $0x1B8E;
	s24 =	sld [smem:$0x3FFE];
	[sflag:s23] =	ssyncadd.s32 $0xFFFFFFFF  }
0xa5: {  	s26 =	simm.s32 $execute0_lowered;
	[smem:$0x3FD2] =	sst s25  }
0xa6: {  	s5 =	sshll.u32 s26, $0x1;
	_ =	strace $0x80000046;
	[dreg:$0x1] =	wrdreg $0xFFFFFFFF  }
0xa7: {  	s28 =	simm.s32 $_size_execute0_lowered;
	s3 =	sadd.s32 s3, s5;
	[dreg:$0x0] =	wrdreg $0x0  }
0xa8: {  	s5 =	sshll.u32 s28, $0x1;
	[dreg:$0x2] =	wrdreg s3  }
0xa9: {  	[dreg:$0x3] =	wrdreg s5  }
0xaa: {  	[dreg:$0x4] =	wrdreg $0xC0  }
0xab: {  	_ =	task [dreg:s7], $0x5FFFF  }
0xac: {  	[dreg:$0x1] =	wrdreg $0xFFFFFFFF  }
0xad: {  	[dreg:$0x0] =	wrdreg $0x60  }
0xae: {  	[dreg:$0x2] =	wrdreg s24  }
0xaf: {  	[dreg:$0x3] =	wrdreg s2  }
0xb0: {  	[dreg:$0x4] =	wrdreg $0x9  }
0xb1: {  	_ =	task.clear_ibuf [dreg:s7], $0x5FFFF;
	_ =	strace $0x90000046  }
0xb2: {  	s29 =	simm.s32 $0x9;
	_ =	strace $0x80000048  }
0xb3: {  	_ =	swait.ge [sflag:s29], $0x1  }
0xb4: {  	[sflag:s29] =	ssyncadd.s32 $0xFFFFFFFF  }
0xb5: {  	_ =	strace $0x90000048  }
0xb6: {  	_ =	sfence  }
0xb7: {  	s30 =	sld [smem:$0x0];
	_ =	sdelay $0x2  }
0xb8: {  	s31 =	sshll.u32 s1, $0xD;
	s1 =	sshrl.u32 s1, $0x2  }
0xb9: {  	s3 =	sand.u32 $0x4000, s31;
	s1 =	sadd.s32 s1, s30  }
0xba: {  	s0 =	sor.u32 s3, s0;
	s1 =	sshll.u32 s1, $0x11  }
0xbb: {  	s0 =	sor.u32 s1, s0  }
0xbc: {  	s0 =	sadd.s32 $0x8F2B, s0  }
0xbd: {  	[sflag:s0] =	ssyncadd.remote.s32 $0x1  }
0xbe: {  	_ =	sfence.sel $0xFFFF  }
0xbf: {  	[dreg:$0x0] =	wrdreg $0xFFFFFFFF;
	(pc) =	sbr.abs _section_cstart, $3  }
0xc0: {  	[dreg:$0x1] =	wrdreg $0xFFFFFFFF  }
0xc1: {  	_ =	task.clear_ibuf [dreg:s7], $0x2FFFF;
	_ =	strace $0x9FFFFFFF  }
0xc2: {  	(tm) =	ssettm $0x7FFFFFFF  }
0xc3: {  	_ =	shalt  }
tec
execute0_lowered:
.L_overlay_start_1:
0x0: {  	(tag) =	ssettag $0x1  }
0x1: {  	s0 =	rddreg [dreg:$0x0]  }
0x2: {  	s1 =	rddreg [dreg:$0x1]  }
0x3: {  	s2 =	simm.s32 $0x0;
	s3 =	srdreg.scid;
	s7 =	stileid.u32  }
0x4: {  	s15 =	simm.s32 $0x300;
	s19 =	simm.s32 $0x2300;
	s28 =	simm.s32 $0x6300  }
0x5: {  	s30 =	simm.s32 $0x6B00;
	s31 =	simm.s32 $0x7B00;
	s13 =	simm.s32 $0x9300  }
0x6: {  	s14 =	simm.s32 $0x9B00;
	s12 =	simm.s32 $0x1;
	s16 =	simm.s32 $0x2  }
0x7: {  	s17 =	simm.s32 $0x3;
	s18 =	simm.s32 $0x4;
	s21 =	simm.s32 $0x0  }
0x8: {  	[smem:$0x7FF] =	sst s2;
	s4 =	sand.u32 $0x1, s3;
	s5 =	sshll.u32 s7, $0x9  }
0x9: {  	s3 =	sadd.s32 $0x800, s0;
	s7 =	sshll.u32 s7, $0xF;
	_ =	strace $0x80000047  }
0xa: {  	s6 =	sshll.u32 s4, $0x8;
	s22 =	ssub.s32 $0x2, s4;
	s10 =	sadd.s32 s7, s0  }
0xb: {  	s24 =	sshll.u32 s4, $0xE;
	s7 =	sadd.s32 $0x900, s0;
	s4 =	simm.s32 $0xA300  }
0xc: {  	s5 =	sor.u32 s6, s5;
	s8 =	sshrl.u32 s22, $0x1;
	s26 =	sadd.s32 s24, s10  }
0xd: {  	s5 =	sshrl.u32 s5, $0x3;
	s6 =	ssub.s32 s22, s8;
	s10 =	sadd.s32 $0x101000, s26  }
0xe: {  	s11 =	sadd.s32 $0x81000, s26;
	s8 =	simm.s32 $0xBB00;
	s9 =	sadd.s32 s5, s0  }
.Ltmp0:
0xf: {  	s1 =	sadd.s32 s1, s5;
	s29 =	smax.u32 s6, $0x1;
	(pc) =	sbr.rel .LBB2_1-.Ltmp0, $4  }
0x10: {  	s0 =	simm.s32 $0x8300;
	s5 =	simm.s32 $0xAB00;
	[dreg:$0x3] =	wrdreg s1  }
0x11: {  	v2 =	vlaneseq.u32;
	s6 =	simm.s32 $0xB300;
	s23 =	sadd.s32 $0x80800, s9;
	[dreg:$0x6] =	wrdreg s29  }
0x12: {  	vm0 =	vmmov $0xffff;
	v1 =	vshrl.u32 v2, $0x3;
	s25 =	sadd.s32 $0x80C00, s9;
	s9 =	sadd.s32 $0x181000, s26;
	[dreg:$0x4] =	wrdreg s23  }
0x13: {  	v0 =	vand.u32 $0x7, v2;
	v2 =	vor.u32 $0x8, v2;
	v1 =	vmul.u32 $0x8, v1;
	s1 =	simm.s32 $0x8B00;
	[dreg:$0x5] =	wrdreg s25;
	s23 =	simm.s32 $0x4300  }
.LBB2_6:
0x14: {  	_ =	swait.ge [sflag:s17], $0x2000  }
0x15: {  	[sflag:s17] =	ssyncset.done $0x0  }
0x16: {  	[sflag:s17] =	ssyncadd.s32 $0xFFFFE000  }
0x17: {  	_ =	swait.ge [sflag:s17], $0x2000  }
0x18: {  	[sflag:s17] =	ssyncset.done $0x0  }
0x19: {  	[sflag:s17] =	ssyncadd.s32 $0xFFFFE000  }
0x1a: {  	_ =	swait.ge [sflag:s17], $0x2000  }
0x1b: {  	[sflag:s17] =	ssyncset.done $0x0  }
0x1c: {  	[sflag:s17] =	ssyncadd.s32 $0xFFFFE000  }
0x1d: {  	_ =	swait.ge [sflag:s18], $0x2000  }
0x1e: {  	[sflag:s18] =	ssyncset.done $0x0  }
0x1f: {  	[sflag:s18] =	ssyncadd.s32 $0xFFFFE000  }
0x20: {  	_ =	swait.ge [sflag:s18], $0x2000  }
0x21: {  	[sflag:s18] =	ssyncset.done $0x0  }
0x22: {  	[sflag:s18] =	ssyncadd.s32 $0xFFFFE000  }
0x23: {  	_ =	swait.ge [sflag:s18], $0x2000  }
0x24: {  	s21 =	rddreg [dreg:$0x7]  }
0x25: {  	s20 =	rddreg [dreg:$0x6];
	s21 =	sadd.s32 $0x1, s21  }
0x26: {  	p0 =	sne.s32 s21, s20  }
.Ltmp1:
0x27: {  	_ = 	snop;
	(pc) =	sbr.rel @!p0 .LBB2_7-.Ltmp1, $3  }
0x28: {  	_ =	sdelay $0x1  }
0x29: {  	[sflag:s18] =	ssyncset.done $0x0  }
0x2a: {  	[sflag:s18] =	ssyncadd.s32 $0xFFFFE000  }
.LBB2_1:
0x2b: {  	[dreg:$0x7] =	wrdreg s21  }
0x2c: {  	s20 =	rddreg [dreg:$0x3];
	s24 =	simm.s32 $0x5  }
0x2d: {  	[tilespmem:s2], [sflag:$0x5] =	stream.linear.gather [hbm4b:s20+s2], $0x100, $0x38;
	[tilespmem:$0xC300] =	vst v63  }
0x2e: {  	_ =	swait.ge [sflag:s24], $0x100  }
0x2f: {  	[sflag:s24] =	ssyncset.done $0x0  }
0x30: {  	s22 =	simm.s32 $0x100;
	s25 =	rddreg [dreg:$0x4];
	[sflag:s24] =	ssyncadd.s32 $0xFFFFFF00  }
0x31: {  	[tilespmem:s22], [sflag:$0x5] =	stream.linear.gather [hbm4b:s25+s2], $0x100, $0x38;
	[tilespmem:$0xC300] =	vst v63  }
0x32: {  	_ =	swait.ge [sflag:s24], $0x100  }
0x33: {  	[sflag:s24] =	ssyncset.done $0x0  }
0x34: {  	s29 =	simm.s32 $0x200;
	s26 =	rddreg [dreg:$0x5];
	[sflag:s24] =	ssyncadd.s32 $0xFFFFFF00  }
0x35: {  	[tilespmem:s29], [sflag:$0x5] =	stream.linear.gather [hbm4b:s26+s2], $0x100, $0x38;
	[tilespmem:$0xC300] =	vst v63  }
0x36: {  	_ =	swait.ge [sflag:s24], $0x100  }
0x37: {  	[sflag:s24] =	ssyncset.done $0x0  }
0x38: {  	[sflag:s24] =	ssyncadd.s32 $0xFFFFFF00  }
0x39: {  	v3 =	vld [tilespmem:$0x0];
	_ =	sdelay $0x4  }
0x3a: {  	v4 =	vshll.u32 v3, $0x2  }
0x3b: {  	v3 =	vand.u32 $0x7, v3;
	v4 =	vand.u32 $0xFFFFFFE0, v4  }
0x3c: {  	v3 =	vor.u32 v3, v4  }
0x3d: {  	v4 =	vperm.xlane v3, v0;
	_ =	sdelay $0x1  }
0x3e: {  	v4 =	vadd.s32 v1, v4;
	_ =	sdelay $0x1  }
0x3f: {  	v3 =	vperm.xlane v3, v2;
	_ =	sdelay $0x1  }
0x40: {  	v3 =	vadd.s32 v1, v3  }
0x41: {  	[tilespmem:s15], [sflag:$0x1] =	stream.indirect_vreg.gather [hbm4b:s3+s2], $0x80, v4, vm0, $0xb8;
	[tilespmem:$0xC300] =	vst v63  }
0x42: {  	s24 =	simm.s32 $0xB00  }
0x43: {  	[tilespmem:s24], [sflag:$0x1] =	stream.indirect_vreg.gather [hbm4b:s7+s2], $0x80, v4, vm0, $0xb8;
	[tilespmem:$0xC300] =	vst v63  }
0x44: {  	s25 =	simm.s32 $0x1300  }
0x45: {  	[tilespmem:s25], [sflag:$0x1] =	stream.indirect_vreg.gather [hbm4b:s3+s2], $0x80, v3, vm0, $0xb8;
	[tilespmem:$0xC300] =	vst v63  }
0x46: {  	s26 =	simm.s32 $0x1B00  }
0x47: {  	[tilespmem:s26], [sflag:$0x1] =	stream.indirect_vreg.gather [hbm4b:s7+s2], $0x80, v3, vm0, $0xb8;
	[tilespmem:$0xC300] =	vst v63  }
0x48: {  	v3 =	vld [tilespmem:$0x100];
	_ =	sdelay $0x4  }
0x49: {  	v59 =	vshll.u32 v3, $0x2  }
0x4a: {  	v3 =	vand.u32 $0x7, v3;
	v4 =	vand.u32 $0xFFFFFFE0, v59  }
0x4b: {  	v3 =	vor.u32 v3, v4  }
0x4c: {  	v4 =	vperm.xlane v3, v0;
	_ =	sdelay $0x1  }
0x4d: {  	v4 =	vadd.s32 v1, v4;
	_ =	sdelay $0x1  }
0x4e: {  	v3 =	vperm.xlane v3, v2;
	_ =	sdelay $0x1  }
0x4f: {  	v3 =	vadd.s32 v1, v3  }
0x50: {  	[tilespmem:s19], [sflag:$0x1] =	stream.indirect_vreg.gather [hbm4b:s3+s2], $0x80, v4, vm0, $0xb8;
	[tilespmem:$0xC300] =	vst v63  }
0x51: {  	s29 =	simm.s32 $0x2B00  }
0x52: {  	[tilespmem:s29], [sflag:$0x1] =	stream.indirect_vreg.gather [hbm4b:s7+s2], $0x80, v4, vm0, $0xb8;
	[tilespmem:$0xC300] =	vst v63  }
0x53: {  	s21 =	simm.s32 $0x3300  }
0x54: {  	[tilespmem:s21], [sflag:$0x1] =	stream.indirect_vreg.gather [hbm4b:s3+s2], $0x80, v3, vm0, $0xb8;
	[tilespmem:$0xC300] =	vst v63  }
0x55: {  	s22 =	simm.s32 $0x3B00  }
0x56: {  	[tilespmem:s22], [sflag:$0x1] =	stream.indirect_vreg.gather [hbm4b:s7+s2], $0x80, v3, vm0, $0xb8;
	[tilespmem:$0xC300] =	vst v63  }
0x57: {  	v3 =	vld [tilespmem:$0x200];
	_ =	sdelay $0x4  }
0x58: {  	v60 =	vshll.u32 v3, $0x2  }
0x59: {  	v3 =	vand.u32 $0x7, v3;
	v4 =	vand.u32 $0xFFFFFFE0, v60  }
0x5a: {  	v3 =	vor.u32 v3, v4  }
0x5b: {  	v4 =	vperm.xlane v3, v0;
	_ =	sdelay $0x1  }
0x5c: {  	v4 =	vadd.s32 v1, v4;
	_ =	sdelay $0x1  }
0x5d: {  	v3 =	vperm.xlane v3, v2;
	_ =	sdelay $0x1  }
0x5e: {  	v3 =	vadd.s32 v1, v3  }
0x5f: {  	[tilespmem:s23], [sflag:$0x1] =	stream.indirect_vreg.gather [hbm4b:s3+s2], $0x80, v4, vm0, $0xb8;
	[tilespmem:$0xC300] =	vst v63  }
0x60: {  	s24 =	simm.s32 $0x4B00  }
0x61: {  	[tilespmem:s24], [sflag:$0x1] =	stream.indirect_vreg.gather [hbm4b:s7+s2], $0x80, v4, vm0, $0xb8;
	[tilespmem:$0xC300] =	vst v63  }
0x62: {  	s25 =	simm.s32 $0x5300  }
0x63: {  	[tilespmem:s25], [sflag:$0x1] =	stream.indirect_vreg.gather [hbm4b:s3+s2], $0x80, v3, vm0, $0xb8;
	[tilespmem:$0xC300] =	vst v63  }
0x64: {  	s26 =	simm.s32 $0x5B00  }
0x65: {  	[tilespmem:s26], [sflag:$0x1] =	stream.indirect_vreg.gather [hbm4b:s7+s2], $0x80, v3, vm0, $0xb8;
	[tilespmem:$0xC300] =	vst v63  }
0x66: {  	v3 =	vld [tilespmem:$0x10];
	_ =	sdelay $0x4  }
0x67: {  	v61 =	vshll.u32 v3, $0x2  }
0x68: {  	v3 =	vand.u32 $0x7, v3;
	v4 =	vand.u32 $0xFFFFFFE0, v61  }
0x69: {  	v3 =	vor.u32 v3, v4  }
0x6a: {  	v4 =	vperm.xlane v3, v0;
	_ =	sdelay $0x1  }
0x6b: {  	v4 =	vadd.s32 v1, v4;
	_ =	sdelay $0x1  }
0x6c: {  	v3 =	vperm.xlane v3, v2;
	_ =	sdelay $0x1  }
0x6d: {  	v3 =	vadd.s32 v1, v3  }
0x6e: {  	[tilespmem:s28], [sflag:$0x2] =	stream.indirect_vreg.gather [hbm4b:s3+s2], $0x80, v4, vm0, $0xb8;
	[tilespmem:$0xC300] =	vst v63  }
0x6f: {  	_ = 	snop  }
0x70: {  	[tilespmem:s30], [sflag:$0x2] =	stream.indirect_vreg.gather [hbm4b:s7+s2], $0x80, v4, vm0, $0xb8;
	[tilespmem:$0xC300] =	vst v63  }
0x71: {  	s29 =	simm.s32 $0x7300  }
0x72: {  	[tilespmem:s29], [sflag:$0x2] =	stream.indirect_vreg.gather [hbm4b:s3+s2], $0x80, v3, vm0, $0xb8;
	[tilespmem:$0xC300] =	vst v63  }
0x73: {  	_ = 	snop  }
0x74: {  	[tilespmem:s31], [sflag:$0x2] =	stream.indirect_vreg.gather [hbm4b:s7+s2], $0x80, v3, vm0, $0xb8;
	[tilespmem:$0xC300] =	vst v63  }
0x75: {  	v3 =	vld [tilespmem:$0x110];
	_ =	sdelay $0x4  }
0x76: {  	v62 =	vshll.u32 v3, $0x2  }
0x77: {  	v3 =	vand.u32 $0x7, v3;
	v4 =	vand.u32 $0xFFFFFFE0, v62  }
0x78: {  	v3 =	vor.u32 v3, v4  }
0x79: {  	v4 =	vperm.xlane v3, v0;
	_ =	sdelay $0x1  }
0x7a: {  	v4 =	vadd.s32 v1, v4;
	_ =	sdelay $0x1  }
0x7b: {  	v3 =	vperm.xlane v3, v2;
	_ =	sdelay $0x1  }
0x7c: {  	v3 =	vadd.s32 v1, v3  }
0x7d: {  	[tilespmem:s0], [sflag:$0x2] =	stream.indirect_vreg.gather [hbm4b:s3+s2], $0x80, v4, vm0, $0xb8;
	[tilespmem:$0xC300] =	vst v63  }
0x7e: {  	_ = 	snop  }
0x7f: {  	[tilespmem:s1], [sflag:$0x2] =	stream.indirect_vreg.gather [hbm4b:s7+s2], $0x80, v4, vm0, $0xb8;
	[tilespmem:$0xC300] =	vst v63  }
0x80: {  	_ = 	snop  }
0x81: {  	[tilespmem:s13], [sflag:$0x2] =	stream.indirect_vreg.gather [hbm4b:s3+s2], $0x80, v3, vm0, $0xb8;
	[tilespmem:$0xC300] =	vst v63  }
0x82: {  	_ = 	snop  }
0x83: {  	[tilespmem:s14], [sflag:$0x2] =	stream.indirect_vreg.gather [hbm4b:s7+s2], $0x80, v3, vm0, $0xb8;
	[tilespmem:$0xC300] =	vst v63  }
0x84: {  	v3 =	vld [tilespmem:$0x210];
	_ =	sdelay $0x4  }
0x85: {  	v63 =	vshll.u32 v3, $0x2  }
0x86: {  	v3 =	vand.u32 $0x7, v3;
	v4 =	vand.u32 $0xFFFFFFE0, v63  }
0x87: {  	v3 =	vor.u32 v3, v4  }
0x88: {  	v4 =	vperm.xlane v3, v0;
	_ =	sdelay $0x1  }
0x89: {  	v4 =	vadd.s32 v1, v4;
	_ =	sdelay $0x1  }
0x8a: {  	v3 =	vperm.xlane v3, v2;
	_ =	sdelay $0x1  }
0x8b: {  	v3 =	vadd.s32 v1, v3  }
0x8c: {  	[tilespmem:s4], [sflag:$0x2] =	stream.indirect_vreg.gather [hbm4b:s3+s2], $0x80, v4, vm0, $0xb8;
	[tilespmem:$0xC300] =	vst v63  }
0x8d: {  	_ = 	snop  }
0x8e: {  	[tilespmem:s5], [sflag:$0x2] =	stream.indirect_vreg.gather [hbm4b:s7+s2], $0x80, v4, vm0, $0xb8;
	[tilespmem:$0xC300] =	vst v63  }
0x8f: {  	s20 =	simm.s32 $0x130  }
0x90: {  	[tilespmem:s6], [sflag:$0x2] =	stream.indirect_vreg.gather [hbm4b:s3+s2], $0x80, v3, vm0, $0xb8;
	[tilespmem:$0xC300] =	vst v63  }
0x91: {  	s21 =	simm.s32 $0x30;
	s22 =	simm.s32 $0x230;
	s24 =	simm.s32 $0x0  }
0x92: {  	[tilespmem:s8], [sflag:$0x2] =	stream.indirect_vreg.gather [hbm4b:s7+s2], $0x80, v3, vm0, $0xb8;
	[tilespmem:$0xC300] =	vst v63  }
.LBB2_2:
0x93: {  	_ =	swait.ge [sflag:s12], $0x2000  }
0x94: {  	[sflag:s12] =	ssyncset.done $0x0  }
0x95: {  	[sflag:s12] =	ssyncadd.s32 $0xFFFFE000  }
0x96: {  	_ =	swait.ge [sflag:s12], $0x2000  }
0x97: {  	[sflag:s12] =	ssyncset.done $0x0  }
0x98: {  	[sflag:s12] =	ssyncadd.s32 $0xFFFFE000  }
0x99: {  	_ =	swait.ge [sflag:s12], $0x2000  }
0x9a: {  	[sflag:s12] =	ssyncset.done $0x0  }
0x9b: {  	s25 =	sadd.s32 s24, s11;
	p0 =	seq.s32 s24, $0x3800;
	[sflag:s12] =	ssyncadd.s32 $0xFFFFE000  }
0x9c: {  	[hbm4b:s25+s2] =	stream.linear.scatter [tilespmem:s15], [sflag:$0x3], $0x2000, $0x38;
	[tilespmem:$0xC300] =	vst v63  }
.Ltmp2:
0x9d: {  	_ = 	snop;
	(pc) =	sbr.rel @p0 .LBB2_4-.Ltmp2, $4  }
0x9e: {  	s26 =	sadd.s32 s24, s10  }
0x9f: {  	[hbm4b:s26+s2] =	stream.linear.scatter [tilespmem:s19], [sflag:$0x3], $0x2000, $0x38;
	[tilespmem:$0xC300] =	vst v63  }
0xa0: {  	s29 =	sadd.s32 s24, s9  }
0xa1: {  	[hbm4b:s29+s2] =	stream.linear.scatter [tilespmem:s23], [sflag:$0x3], $0x2000, $0x38;
	[tilespmem:$0xC300] =	vst v63  }
0xa2: {  	_ =	swait.ge [sflag:s17], $0x2000  }
0xa3: {  	[sflag:s17] =	ssyncset.done $0x0  }
0xa4: {  	[sflag:s17] =	ssyncadd.s32 $0xFFFFE000  }
0xa5: {  	_ =	swait.ge [sflag:s17], $0x2000  }
0xa6: {  	[sflag:s17] =	ssyncset.done $0x0  }
0xa7: {  	[sflag:s17] =	ssyncadd.s32 $0xFFFFE000  }
0xa8: {  	_ =	swait.ge [sflag:s17], $0x2000  }
0xa9: {  	[sflag:s17] =	ssyncset.done $0x0  }
0xaa: {  	[sflag:s17] =	ssyncadd.s32 $0xFFFFE000  }
0xab: {  	v3 =	vld [tilespmem:s21+$0xFFFFFFF0];
	_ =	sdelay $0x4  }
0xac: {  	v4 =	vshll.u32 v3, $0x2  }
0xad: {  	v3 =	vand.u32 $0x7, v3;
	v4 =	vand.u32 $0xFFFFFFE0, v4  }
0xae: {  	v3 =	vor.u32 v3, v4  }
0xaf: {  	v4 =	vperm.xlane v3, v0;
	_ =	sdelay $0x1  }
0xb0: {  	v4 =	vadd.s32 v1, v4;
	_ =	sdelay $0x1  }
0xb1: {  	v3 =	vperm.xlane v3, v2;
	_ =	sdelay $0x1  }
0xb2: {  	v3 =	vadd.s32 v1, v3  }
0xb3: {  	[tilespmem:s15], [sflag:$0x1] =	stream.indirect_vreg.gather [hbm4b:s3+s2], $0x80, v4, vm0, $0xb8;
	[tilespmem:$0xC300] =	vst v63  }
0xb4: {  	s30 =	simm.s32 $0xB00  }
0xb5: {  	[tilespmem:s30], [sflag:$0x1] =	stream.indirect_vreg.gather [hbm4b:s7+s2], $0x80, v4, vm0, $0xb8;
	[tilespmem:$0xC300] =	vst v63  }
0xb6: {  	s30 =	simm.s32 $0x1300  }
0xb7: {  	[tilespmem:s30], [sflag:$0x1] =	stream.indirect_vreg.gather [hbm4b:s3+s2], $0x80, v3, vm0, $0xb8;
	[tilespmem:$0xC300] =	vst v63  }
0xb8: {  	s30 =	simm.s32 $0x1B00  }
0xb9: {  	[tilespmem:s30], [sflag:$0x1] =	stream.indirect_vreg.gather [hbm4b:s7+s2], $0x80, v3, vm0, $0xb8;
	[tilespmem:$0xC300] =	vst v63  }
0xba: {  	v3 =	vld [tilespmem:s20+$0xFFFFFFF0];
	_ =	sdelay $0x4  }
0xbb: {  	v62 =	vshll.u32 v3, $0x2  }
0xbc: {  	v3 =	vand.u32 $0x7, v3;
	v4 =	vand.u32 $0xFFFFFFE0, v62  }
0xbd: {  	v3 =	vor.u32 v3, v4  }
0xbe: {  	v4 =	vperm.xlane v3, v0;
	_ =	sdelay $0x1  }
0xbf: {  	v4 =	vadd.s32 v1, v4;
	_ =	sdelay $0x1  }
0xc0: {  	v3 =	vperm.xlane v3, v2;
	_ =	sdelay $0x1  }
0xc1: {  	v3 =	vadd.s32 v1, v3  }
0xc2: {  	[tilespmem:s19], [sflag:$0x1] =	stream.indirect_vreg.gather [hbm4b:s3+s2], $0x80, v4, vm0, $0xb8;
	[tilespmem:$0xC300] =	vst v63  }
0xc3: {  	s30 =	simm.s32 $0x2B00  }
0xc4: {  	[tilespmem:s30], [sflag:$0x1] =	stream.indirect_vreg.gather [hbm4b:s7+s2], $0x80, v4, vm0, $0xb8;
	[tilespmem:$0xC300] =	vst v63  }
0xc5: {  	s30 =	simm.s32 $0x3300  }
0xc6: {  	[tilespmem:s30], [sflag:$0x1] =	stream.indirect_vreg.gather [hbm4b:s3+s2], $0x80, v3, vm0, $0xb8;
	[tilespmem:$0xC300] =	vst v63  }
0xc7: {  	s30 =	simm.s32 $0x3B00  }
0xc8: {  	[tilespmem:s30], [sflag:$0x1] =	stream.indirect_vreg.gather [hbm4b:s7+s2], $0x80, v3, vm0, $0xb8;
	[tilespmem:$0xC300] =	vst v63  }
0xc9: {  	v3 =	vld [tilespmem:s22+$0xFFFFFFF0];
	_ =	sdelay $0x4  }
0xca: {  	v63 =	vshll.u32 v3, $0x2  }
0xcb: {  	v3 =	vand.u32 $0x7, v3;
	v4 =	vand.u32 $0xFFFFFFE0, v63  }
0xcc: {  	v3 =	vor.u32 v3, v4  }
0xcd: {  	v4 =	vperm.xlane v3, v0;
	_ =	sdelay $0x1  }
0xce: {  	v4 =	vadd.s32 v1, v4;
	_ =	sdelay $0x1  }
0xcf: {  	v3 =	vperm.xlane v3, v2;
	_ =	sdelay $0x1  }
0xd0: {  	v3 =	vadd.s32 v1, v3  }
0xd1: {  	[tilespmem:s23], [sflag:$0x1] =	stream.indirect_vreg.gather [hbm4b:s3+s2], $0x80, v4, vm0, $0xb8;
	[tilespmem:$0xC300] =	vst v63  }
0xd2: {  	s30 =	simm.s32 $0x4B00  }
0xd3: {  	[tilespmem:s30], [sflag:$0x1] =	stream.indirect_vreg.gather [hbm4b:s7+s2], $0x80, v4, vm0, $0xb8;
	[tilespmem:$0xC300] =	vst v63  }
0xd4: {  	s30 =	simm.s32 $0x5300  }
0xd5: {  	[tilespmem:s30], [sflag:$0x1] =	stream.indirect_vreg.gather [hbm4b:s3+s2], $0x80, v3, vm0, $0xb8;
	[tilespmem:$0xC300] =	vst v63  }
0xd6: {  	s30 =	simm.s32 $0x5B00  }
0xd7: {  	[tilespmem:s30], [sflag:$0x1] =	stream.indirect_vreg.gather [hbm4b:s7+s2], $0x80, v3, vm0, $0xb8;
	[tilespmem:$0xC300] =	vst v63  }
0xd8: {  	s30 =	simm.s32 $0x6B00  }
.LBB2_4:
0xd9: {  	_ =	swait.ge [sflag:s16], $0x2000  }
0xda: {  	[sflag:s16] =	ssyncset.done $0x0  }
0xdb: {  	[sflag:s16] =	ssyncadd.s32 $0xFFFFE000  }
0xdc: {  	_ =	swait.ge [sflag:s16], $0x2000  }
0xdd: {  	[sflag:s16] =	ssyncset.done $0x0  }
0xde: {  	[sflag:s16] =	ssyncadd.s32 $0xFFFFE000  }
0xdf: {  	_ =	swait.ge [sflag:s16], $0x2000  }
0xe0: {  	[sflag:s16] =	ssyncset.done $0x0  }
0xe1: {  	s25 =	sadd.s32 $0x400, s25;
	[sflag:s16] =	ssyncadd.s32 $0xFFFFE000  }
0xe2: {  	[hbm4b:s25+s2] =	stream.linear.scatter [tilespmem:s28], [sflag:$0x4], $0x2000, $0x38;
	[tilespmem:$0xC300] =	vst v63  }
.Ltmp3:
0xe3: {  	_ = 	snop;
	(pc) =	sbr.rel @p0 .LBB2_6-.Ltmp3, $4  }
0xe4: {  	s26 =	sadd.s32 $0x400, s26  }
0xe5: {  	[hbm4b:s26+s2] =	stream.linear.scatter [tilespmem:s0], [sflag:$0x4], $0x2000, $0x38;
	[tilespmem:$0xC300] =	vst v63  }
0xe6: {  	s29 =	sadd.s32 $0x400, s29  }
0xe7: {  	[hbm4b:s29+s2] =	stream.linear.scatter [tilespmem:s4], [sflag:$0x4], $0x2000, $0x38;
	[tilespmem:$0xC300] =	vst v63  }
0xe8: {  	_ =	swait.ge [sflag:s18], $0x2000  }
0xe9: {  	[sflag:s18] =	ssyncset.done $0x0  }
0xea: {  	[sflag:s18] =	ssyncadd.s32 $0xFFFFE000  }
0xeb: {  	_ =	swait.ge [sflag:s18], $0x2000  }
0xec: {  	[sflag:s18] =	ssyncset.done $0x0  }
0xed: {  	[sflag:s18] =	ssyncadd.s32 $0xFFFFE000  }
0xee: {  	_ =	swait.ge [sflag:s18], $0x2000  }
0xef: {  	[sflag:s18] =	ssyncset.done $0x0  }
0xf0: {  	[sflag:s18] =	ssyncadd.s32 $0xFFFFE000  }
0xf1: {  	v3 =	vld [tilespmem:s21+$0x0];
	_ =	sdelay $0x4  }
0xf2: {  	v4 =	vshll.u32 v3, $0x2  }
0xf3: {  	v3 =	vand.u32 $0x7, v3;
	v4 =	vand.u32 $0xFFFFFFE0, v4  }
0xf4: {  	v3 =	vor.u32 v3, v4  }
0xf5: {  	v4 =	vperm.xlane v3, v0;
	_ =	sdelay $0x1  }
0xf6: {  	v4 =	vadd.s32 v1, v4;
	_ =	sdelay $0x1  }
0xf7: {  	v3 =	vperm.xlane v3, v2;
	_ =	sdelay $0x1  }
0xf8: {  	v3 =	vadd.s32 v1, v3  }
0xf9: {  	[tilespmem:s28], [sflag:$0x2] =	stream.indirect_vreg.gather [hbm4b:s3+s2], $0x80, v4, vm0, $0xb8;
	[tilespmem:$0xC300] =	vst v63  }
0xfa: {  	_ = 	snop  }
0xfb: {  	[tilespmem:s30], [sflag:$0x2] =	stream.indirect_vreg.gather [hbm4b:s7+s2], $0x80, v4, vm0, $0xb8;
	[tilespmem:$0xC300] =	vst v63  }
0xfc: {  	s25 =	simm.s32 $0x7300  }
0xfd: {  	[tilespmem:s25], [sflag:$0x2] =	stream.indirect_vreg.gather [hbm4b:s3+s2], $0x80, v3, vm0, $0xb8;
	[tilespmem:$0xC300] =	vst v63  }
0xfe: {  	_ = 	snop  }
0xff: {  	[tilespmem:s31], [sflag:$0x2] =	stream.indirect_vreg.gather [hbm4b:s7+s2], $0x80, v3, vm0, $0xb8;
	[tilespmem:$0xC300] =	vst v63  }
0x100: {  	v3 =	vld [tilespmem:s20+$0x0];
	_ =	sdelay $0x4  }
0x101: {  	v62 =	vshll.u32 v3, $0x2  }
0x102: {  	v3 =	vand.u32 $0x7, v3;
	v4 =	vand.u32 $0xFFFFFFE0, v62  }
0x103: {  	v3 =	vor.u32 v3, v4  }
0x104: {  	v4 =	vperm.xlane v3, v0;
	_ =	sdelay $0x1  }
0x105: {  	v4 =	vadd.s32 v1, v4;
	_ =	sdelay $0x1  }
0x106: {  	v3 =	vperm.xlane v3, v2;
	_ =	sdelay $0x1  }
0x107: {  	v3 =	vadd.s32 v1, v3  }
0x108: {  	[tilespmem:s0], [sflag:$0x2] =	stream.indirect_vreg.gather [hbm4b:s3+s2], $0x80, v4, vm0, $0xb8;
	[tilespmem:$0xC300] =	vst v63  }
0x109: {  	_ = 	snop  }
0x10a: {  	[tilespmem:s1], [sflag:$0x2] =	stream.indirect_vreg.gather [hbm4b:s7+s2], $0x80, v4, vm0, $0xb8;
	[tilespmem:$0xC300] =	vst v63  }
0x10b: {  	_ = 	snop  }
0x10c: {  	[tilespmem:s13], [sflag:$0x2] =	stream.indirect_vreg.gather [hbm4b:s3+s2], $0x80, v3, vm0, $0xb8;
	[tilespmem:$0xC300] =	vst v63  }
0x10d: {  	_ = 	snop  }
0x10e: {  	[tilespmem:s14], [sflag:$0x2] =	stream.indirect_vreg.gather [hbm4b:s7+s2], $0x80, v3, vm0, $0xb8;
	[tilespmem:$0xC300] =	vst v63  }
0x10f: {  	v3 =	vld [tilespmem:s22+$0x0];
	_ =	sdelay $0x4  }
0x110: {  	v63 =	vshll.u32 v3, $0x2  }
0x111: {  	v3 =	vand.u32 $0x7, v3;
	v4 =	vand.u32 $0xFFFFFFE0, v63  }
0x112: {  	v3 =	vor.u32 v3, v4  }
0x113: {  	v4 =	vperm.xlane v3, v0;
	_ =	sdelay $0x1  }
0x114: {  	v4 =	vadd.s32 v1, v4;
	_ =	sdelay $0x2  }
0x115: {  	v3 =	vperm.xlane v3, v2;
	_ =	sdelay $0x1  }
0x116: {  	v3 =	vadd.s32 v1, v3;
	[tilespmem:s4], [sflag:$0x2] =	stream.indirect_vreg.gather [hbm4b:s3+s2], $0x80, v4, vm0, $0xb8;
	[tilespmem:$0xC300] =	vst v63  }
0x117: {  	_ = 	snop  }
0x118: {  	[tilespmem:s5], [sflag:$0x2] =	stream.indirect_vreg.gather [hbm4b:s7+s2], $0x80, v4, vm0, $0xb8;
	[tilespmem:$0xC300] =	vst v63  }
.Ltmp4:
0x119: {  	_ = 	snop;
	(pc) =	sbr.rel .LBB2_2-.Ltmp4, $4  }
0x11a: {  	s24 =	sadd.s32 $0x800, s24  }
0x11b: {  	[tilespmem:s6], [sflag:$0x2] =	stream.indirect_vreg.gather [hbm4b:s3+s2], $0x80, v3, vm0, $0xb8;
	[tilespmem:$0xC300] =	vst v63  }
0x11c: {  	s21 =	sadd.s32 $0x20, s21;
	s20 =	sadd.s32 $0x20, s20;
	s22 =	sadd.s32 $0x20, s22  }
0x11d: {  	[tilespmem:s8], [sflag:$0x2] =	stream.indirect_vreg.gather [hbm4b:s7+s2], $0x80, v3, vm0, $0xb8;
	[tilespmem:$0xC300] =	vst v63  }
.LBB2_7:
0x11e: {  	_ =	sfence.sel $0x180000  }
0x11f: {  	[bflag:$0x0] =	sbarrier.arrive $0xFFFF  }
0x120: {  	_ =	strace $0x90000047  }
0x121: {  	s0 =	stileid.u32;
	[bflag:$0x2] =	sbarrier.arrive $0xFFFF  }
0x122: {  	p0 =	sne.s32 s0, $0x0;
	s0 =	rddreg [dreg:$0x2]  }
0x123: {  	s0 =	sadd.s32 @!p0 $0x100000, s0  }
0x124: {  	[sflag:s0] =	ssyncadd.tile.s32 @!p0 $0x1;
	_ =	shalt  }
.Lfunc_end2:
_tile_overlayer_lowered:
.L_overlay_start_2:
0x125: {  	(tag) =	ssettag $0x2  }
0x126: {  	s0 =	rddreg [dreg:$0x0];
	s2 =	stileid.u32  }
0x127: {  	s1 =	rddreg [dreg:$0x1];
	p0 =	sne.s32 s2, $0x0  }
0x128: {  	s3 =	rddreg [dreg:$0x2];
	[bflag:$0x3] =	sbarrier.arrive $0xFFFF;
	s2 =	simm.s32 @!p0 $0x1C05  }
0x129: {  	[timem:s3], [sflag:s2] =	dma.local @!p0 [hbm:s0], s1  }
0x12a: {  	s0 =	simm.s32 @!p0 $0x5  }
0x12b: {  	_ =	swait.ge @!p0 [sflag:s0], s1  }
0x12c: {  	s1 =	ssub.s32 @!p0 $0x0, s1;
	[sflag:s0] =	ssyncset.done @!p0 $0x0  }
0x12d: {  	[sflag:s0] =	ssyncadd.s32 @!p0 s1  }
0x12e: {  	[bflag:$0x3] =	sbarrier.arrive $0xFFFF  }
0x12f: {  	_ =	shalt  }

</sc_bundles>
